<compile_context>
chip_gen: v7x
topology: tpu7x:2x2x1
jax: 0.10.2.dev20260603
libtpu: 0.0.44.dev20260713+nightly
codegen_flags: <defaults>
</compile_context>

<pallas_src>
import functools

import jax
import jax.numpy as jnp
from jax import lax
from jax.experimental import pallas as pl
from jax.experimental.pallas import tpu as pltpu
from jax.experimental.pallas import tpu_sc as plsc

_B = 16384
_NDIM = 10
_TPAD = 32


def _sc_info():
    try:
        info = plsc.get_sparse_core_info()
        return info.num_subcores
    except Exception:
        return 16


@functools.lru_cache(maxsize=1)
def _build_sc_kernel():
    ns = _sc_info()
    nc = 1
    nw = nc * ns
    b_per_w = _B // nw
    ent = _TPAD * _TPAD
    ent_per_tile = ent // ns
    mesh = plsc.VectorSubcoreMesh(core_axis_name="c", subcore_axis_name="s", num_cores=nc)

    @functools.partial(
        pl.kernel,
        mesh=mesh,
        out_type=jax.ShapeDtypeStruct((_B,), jnp.float32),
        compiler_params=pltpu.CompilerParams(needs_layout_passes=False),
        scratch_types=[
            pltpu.VMEM((b_per_w,), jnp.int32),
            pltpu.VMEM(((_TPAD + 1) * 16,), jnp.float32),
            pltpu.VMEM((ent,), jnp.float32),
            pltpu.VMEM((ent_per_tile,), jnp.float32),
            pltpu.VMEM((b_per_w,), jnp.float32),
            pltpu.VMEM_SHARED((ent,), jnp.float32),
            pltpu.SemaphoreType.DMA,
            pltpu.SemaphoreType.DMA,
        ],
    )
    def sc_kernel(idx_hbm, tab_hbm, out_hbm,
                  idx_v, t_v, d_v, dpart_v, o_v, d_sh, sem, sem2):
        cid = lax.axis_index("c")
        sid = lax.axis_index("s")
        wid = sid * nc + cid

        idx_cp = pltpu.async_copy(
            idx_hbm.at[pl.ds(wid * b_per_w, b_per_w)], idx_v, sem
        )
        tab_cp = pltpu.async_copy(tab_hbm, t_v, sem2)
        tab_cp.wait()

        lane = lax.iota(jnp.int32, 16)

        def _sqrt(x):
            xi = plsc.bitcast(x, jnp.int32)
            yi = jnp.full((16,), 0x5F3759DF, jnp.int32) - lax.shift_right_logical(xi, 1)
            y = plsc.bitcast(yi, jnp.float32)
            hx = x * 0.5
            for _ in range(3):
                y = y * (1.5 - hx * y * y)
            return x * y

        sw = _sqrt(t_v[pl.ds(_TPAD * 16, 16)] + 1e-30)
        for j in range(_TPAD):
            t_v[pl.ds(j * 16, 16)] = t_v[pl.ds(j * 16, 16)] * sw

        for cc in range(ent_per_tile // 16):
            e = lane + sid * ent_per_tile + cc * 16
            i0 = lax.shift_right_logical(e, 5)
            i1 = lax.bitwise_and(e, _TPAD - 1)
            acc = jnp.full((16,), 1e-12, jnp.float32)
            r0 = lax.shift_left(i0, 4)
            r1 = lax.shift_left(i1, 4)
            for d in range(_NDIM):
                a = plsc.load_gather(t_v, (r0 + d,))
                b = plsc.load_gather(t_v, (r1 + d,))
                df = a - b
                acc = acc + df * df
            dpart_v[pl.ds(cc * 16, 16)] = _sqrt(acc)

        pltpu.sync_copy(dpart_v, d_sh.at[pl.ds(sid * ent_per_tile, ent_per_tile)])
        plsc.subcore_barrier()
        pltpu.sync_copy(d_sh, d_v)

        idx_cp.wait()
        for k in range(b_per_w // 16):
            flat = idx_v[pl.ds(k * 16, 16)]
            o_v[pl.ds(k * 16, 16)] = plsc.load_gather(d_v, (flat,))

        pltpu.sync_copy(o_v, out_hbm.at[pl.ds(wid * b_per_w, b_per_w)])

    return sc_kernel


def kernel(rate2_stimulus_set, percept_table, w):
    idx_flat = rate2_stimulus_set[:, 0] * _TPAD + rate2_stimulus_set[:, 1]
    tab = (jnp.zeros((_TPAD + 1, 16), jnp.float32)
           .at[:percept_table.shape[0], :_NDIM].set(percept_table)
           .at[_TPAD, :_NDIM].set(w)
           .reshape(-1))
    out = _build_sc_kernel()(idx_flat, tab)
    return out.reshape(_B, 1)

# --- scband reference (transcript-rebuilt; emitter-appended) ---
"""Pipeline reference for scband-proximity-model-a-19250043421189 (READ-ONLY COPY).

The authoritative reference and input builder live on the scoring server;
editing this copy changes nothing except your own understanding.
"""

import jax, jax.numpy as jnp
import numpy as np

N_STIMULI = 30
N_DIM = 10
BATCH = 16384
RHO = 2.0


def setup_inputs(seed: int = 0) -> dict:
    key = jax.random.key(seed)
    k1, k2 = jax.random.split(key, 2)
    # indices in [0, n_stimuli]; 0 is the mask token but lookup is still valid
    rate2_stimulus_set = jax.random.randint(k1, (BATCH, 2), 0, N_STIMULI + 1, dtype=jnp.int32)
    # learned embedding table (Keras Embedding default uniform init)
    percept_table = jax.random.uniform(k2, (N_STIMULI + 1, N_DIM), dtype=jnp.float32, minval=-0.05, maxval=0.05)
    # Minkowski weights (w_initializer=Constant(1.0), trainable=False)
    w = jnp.ones((N_DIM,), dtype=jnp.float32)
    return {"rate2_stimulus_set": rate2_stimulus_set, "percept_table": percept_table, "w": w}


def reference(rate2_stimulus_set, percept_table, w):
    # Embedding lookup: [B, 2] -> [B, 2, n_dim]
    z = jnp.take(percept_table, rate2_stimulus_set, axis=0)
    # split along stimuli axis (axis=1) at index 1
    z_0 = z[:, :1, :]  # [B, 1, n_dim]
    z_1 = z[:, 1:, :]  # [B, 1, n_dim]
    # weighted Minkowski distance with rho=2, w=1 (psiz Minkowski layer)
    # d = (sum_i w_i * |z0_i - z1_i|^rho)^(1/rho)
    inner = jnp.sum(w * jnp.power(jnp.abs(z_0 - z_1), RHO), axis=-1)
    s = jnp.power(inner + 1e-12, 1.0 / RHO)  # eps for numerical safety when z_0 == z_1
    return s  # [B, 1]

if __name__ == "__main__":
    import jax
    _d = setup_inputs()
    print(jax.jit(kernel)(*tuple(_d.values())))

</pallas_src>

<mosaic_0001>
#map = affine_map<(d0, d1) -> (0)>
module attributes {stable_mosaic.version = 14 : i64} {
  func.func @sc_kernel(%arg0: i32, %arg1: i32, %arg2: memref<16384xi32, #tpu.memory_space<hbm>>, %arg3: memref<528xf32, #tpu.memory_space<hbm>>, %arg4: memref<16384xf32, #tpu.memory_space<hbm>>, %arg5: memref<1024xi32, #tpu.memory_space<vmem>>, %arg6: memref<528xf32, #tpu.memory_space<vmem>>, %arg7: memref<1024xf32, #tpu.memory_space<vmem>>, %arg8: memref<64xf32, #tpu.memory_space<vmem>>, %arg9: memref<1024xf32, #tpu.memory_space<vmem>>, %arg10: memref<1024xf32, #tpu.memory_space<vmem_shared>>, %arg11: memref<!tpu.dma_semaphore, #tpu.memory_space<semaphore_mem>>, %arg12: memref<!tpu.dma_semaphore, #tpu.memory_space<semaphore_mem>>) attributes {dimension_semantics = [#tpu.dimension_semantics<core_parallel>, #tpu.dimension_semantics<subcore_parallel>], iteration_bounds = array<i64: 1, 16>, scalar_prefetch = 0 : i64, scratch_operands = 8 : i64, tpu.core_type = #tpu.core_type<sc_vector_subcore>, window_params = [{transform_indices = #map}, {transform_indices = #map}, {transform_indices = #map}]} {
    %mul3A = arith.constant 1 : i32
    %mul3A_0 = arith.muli %arg1, %mul3A : i32
    %add3A = arith.addi %mul3A_0, %arg0 : i32
    %mul3A_1 = arith.constant 1024 : i32
    %mul3A_2 = arith.muli %add3A, %mul3A_1 : i32
    %dma_start3A = tpu.memref_slice %arg2[%mul3A_2] : memref<16384xi32, #tpu.memory_space<hbm>> -> memref<1024xi32, #tpu.memory_space<hbm>>
    %dma_start3A_3 = tpu.memref_slice %arg2[%mul3A_2] : memref<16384xi32, #tpu.memory_space<hbm>> -> memref<1024xi32, #tpu.memory_space<hbm>>
    tpu.enqueue_dma source(%dma_start3A_3 : memref<1024xi32, #tpu.memory_space<hbm>>) target(%arg5 : memref<1024xi32, #tpu.memory_space<vmem>>) target_semaphore(%arg11 : memref<!tpu.dma_semaphore, #tpu.memory_space<semaphore_mem>>)
    tpu.enqueue_dma source(%arg3 : memref<528xf32, #tpu.memory_space<hbm>>) target(%arg6 : memref<528xf32, #tpu.memory_space<vmem>>) target_semaphore(%arg12 : memref<!tpu.dma_semaphore, #tpu.memory_space<semaphore_mem>>)
    tpu.wait_dma2 semaphore(%arg12 : memref<!tpu.dma_semaphore, #tpu.memory_space<semaphore_mem>>) src(%arg3 : memref<528xf32, #tpu.memory_space<hbm>>) dst(%arg6 : memref<528xf32, #tpu.memory_space<vmem>>)
    %iota3A = tpu.iota {dimensions = array<i32: 0>} : vector<16xi32>
    %get3A = arith.constant 512 : index
    %get3A_4 = tpu.vector_load %arg6[%get3A] {strides = array<i32>} : memref<528xf32, #tpu.memory_space<vmem>>, vector<16xf32>,
    %add3A_5 = arith.constant 1.000000e-30 : f32
    %add3A_6 = vector.broadcast %add3A_5 : f32 to vector<16xf32>
    %add3A_7 = arith.addf %get3A_4, %add3A_6 : vector<16xf32>
    %bitcast3A = vector.bitcast %add3A_7 : vector<16xf32> to vector<16xi32>
    %broadcast_in_dim3A = arith.constant 1597463007 : i32
    %broadcast_in_dim3A_8 = vector.broadcast %broadcast_in_dim3A : i32 to vector<16xi32>
    %shift_right_logical3A = arith.constant 1 : i32
    %shift_right_logical3A_9 = vector.broadcast %shift_right_logical3A : i32 to vector<16xi32>
    %shift_right_logical3A_10 = arith.shrui %bitcast3A, %shift_right_logical3A_9 : vector<16xi32>
    %sub3A = arith.subi %broadcast_in_dim3A_8, %shift_right_logical3A_10 : vector<16xi32>
    %bitcast3A_11 = vector.bitcast %sub3A : vector<16xi32> to vector<16xf32>
    %mul3A_12 = arith.constant 5.000000e-01 : f32
    %mul3A_13 = vector.broadcast %mul3A_12 : f32 to vector<16xf32>
    %mul3A_14 = arith.mulf %add3A_7, %mul3A_13 : vector<16xf32>
    %mul3A_15 = arith.mulf %mul3A_14, %bitcast3A_11 : vector<16xf32>
    %mul3A_16 = arith.mulf %mul3A_15, %bitcast3A_11 : vector<16xf32>
    %sub3A_17 = arith.constant 1.500000e+00 : f32
    %sub3A_18 = vector.broadcast %sub3A_17 : f32 to vector<16xf32>
    %sub3A_19 = arith.subf %sub3A_18, %mul3A_16 : vector<16xf32>
    %mul3A_20 = arith.mulf %bitcast3A_11, %sub3A_19 : vector<16xf32>
    %mul3A_21 = arith.mulf %mul3A_14, %mul3A_20 : vector<16xf32>
    %mul3A_22 = arith.mulf %mul3A_21, %mul3A_20 : vector<16xf32>
    %sub3A_23 = arith.constant 1.500000e+00 : f32
    %sub3A_24 = vector.broadcast %sub3A_23 : f32 to vector<16xf32>
    %sub3A_25 = arith.subf %sub3A_24, %mul3A_22 : vector<16xf32>
    %mul3A_26 = arith.mulf %mul3A_20, %sub3A_25 : vector<16xf32>
    %mul3A_27 = arith.mulf %mul3A_14, %mul3A_26 : vector<16xf32>
    %mul3A_28 = arith.mulf %mul3A_27, %mul3A_26 : vector<16xf32>
    %sub3A_29 = arith.constant 1.500000e+00 : f32
    %sub3A_30 = vector.broadcast %sub3A_29 : f32 to vector<16xf32>
    %sub3A_31 = arith.subf %sub3A_30, %mul3A_28 : vector<16xf32>
    %mul3A_32 = arith.mulf %mul3A_26, %sub3A_31 : vector<16xf32>
    %mul3A_33 = arith.mulf %add3A_7, %mul3A_32 : vector<16xf32>
    %get3A_34 = arith.constant 0 : index
    %get3A_35 = tpu.vector_load %arg6[%get3A_34] {strides = array<i32>} : memref<528xf32, #tpu.memory_space<vmem>>, vector<16xf32>,
    %mul3A_36 = arith.mulf %get3A_35, %mul3A_33 : vector<16xf32>
    %swap3A = arith.constant 0 : index
    %swap3A_37 = tpu.vector_load %arg6[%swap3A] {strides = array<i32>} : memref<528xf32, #tpu.memory_space<vmem>>, vector<16xf32>,
    tpu.vector_store %arg6[%swap3A], %mul3A_36 {strides = array<i32>} : memref<528xf32, #tpu.memory_space<vmem>>, vector<16xf32>,
    %get3A_38 = arith.constant 16 : index
    %get3A_39 = tpu.vector_load %arg6[%get3A_38] {strides = array<i32>} : memref<528xf32, #tpu.memory_space<vmem>>, vector<16xf32>,
    %mul3A_40 = arith.mulf %get3A_39, %mul3A_33 : vector<16xf32>
    %swap3A_41 = arith.constant 16 : index
    %swap3A_42 = tpu.vector_load %arg6[%swap3A_41] {strides = array<i32>} : memref<528xf32, #tpu.memory_space<vmem>>, vector<16xf32>,
    tpu.vector_store %arg6[%swap3A_41], %mul3A_40 {strides = array<i32>} : memref<528xf32, #tpu.memory_space<vmem>>, vector<16xf32>,
    %get3A_43 = arith.constant 32 : index
    %get3A_44 = tpu.vector_load %arg6[%get3A_43] {strides = array<i32>} : memref<528xf32, #tpu.memory_space<vmem>>, vector<16xf32>,
    %mul3A_45 = arith.mulf %get3A_44, %mul3A_33 : vector<16xf32>
    %swap3A_46 = arith.constant 32 : index
    %swap3A_47 = tpu.vector_load %arg6[%swap3A_46] {strides = array<i32>} : memref<528xf32, #tpu.memory_space<vmem>>, vector<16xf32>,
    tpu.vector_store %arg6[%swap3A_46], %mul3A_45 {strides = array<i32>} : memref<528xf32, #tpu.memory_space<vmem>>, vector<16xf32>,
    %get3A_48 = arith.constant 48 : index
    %get3A_49 = tpu.vector_load %arg6[%get3A_48] {strides = array<i32>} : memref<528xf32, #tpu.memory_space<vmem>>, vector<16xf32>,
    %mul3A_50 = arith.mulf %get3A_49, %mul3A_33 : vector<16xf32>
    %swap3A_51 = arith.constant 48 : index
    %swap3A_52 = tpu.vector_load %arg6[%swap3A_51] {strides = array<i32>} : memref<528xf32, #tpu.memory_space<vmem>>, vector<16xf32>,
    tpu.vector_store %arg6[%swap3A_51], %mul3A_50 {strides = array<i32>} : memref<528xf32, #tpu.memory_space<vmem>>, vector<16xf32>,
    %get3A_53 = arith.constant 64 : index
    %get3A_54 = tpu.vector_load %arg6[%get3A_53] {strides = array<i32>} : memref<528xf32, #tpu.memory_space<vmem>>, vector<16xf32>,
    %mul3A_55 = arith.mulf %get3A_54, %mul3A_33 : vector<16xf32>
    %swap3A_56 = arith.constant 64 : index
    %swap3A_57 = tpu.vector_load %arg6[%swap3A_56] {strides = array<i32>} : memref<528xf32, #tpu.memory_space<vmem>>, vector<16xf32>,
    tpu.vector_store %arg6[%swap3A_56], %mul3A_55 {strides = array<i32>} : memref<528xf32, #tpu.memory_space<vmem>>, vector<16xf32>,
    %get3A_58 = arith.constant 80 : index
    %get3A_59 = tpu.vector_load %arg6[%get3A_58] {strides = array<i32>} : memref<528xf32, #tpu.memory_space<vmem>>, vector<16xf32>,
    %mul3A_60 = arith.mulf %get3A_59, %mul3A_33 : vector<16xf32>
    %swap3A_61 = arith.constant 80 : index
    %swap3A_62 = tpu.vector_load %arg6[%swap3A_61] {strides = array<i32>} : memref<528xf32, #tpu.memory_space<vmem>>, vector<16xf32>,
    tpu.vector_store %arg6[%swap3A_61], %mul3A_60 {strides = array<i32>} : memref<528xf32, #tpu.memory_space<vmem>>, vector<16xf32>,
    %get3A_63 = arith.constant 96 : index
    %get3A_64 = tpu.vector_load %arg6[%get3A_63] {strides = array<i32>} : memref<528xf32, #tpu.memory_space<vmem>>, vector<16xf32>,
    %mul3A_65 = arith.mulf %get3A_64, %mul3A_33 : vector<16xf32>
    %swap3A_66 = arith.constant 96 : index
    %swap3A_67 = tpu.vector_load %arg6[%swap3A_66] {strides = array<i32>} : memref<528xf32, #tpu.memory_space<vmem>>, vector<16xf32>,
    tpu.vector_store %arg6[%swap3A_66], %mul3A_65 {strides = array<i32>} : memref<528xf32, #tpu.memory_space<vmem>>, vector<16xf32>,
    %get3A_68 = arith.constant 112 : index
    %get3A_69 = tpu.vector_load %arg6[%get3A_68] {strides = array<i32>} : memref<528xf32, #tpu.memory_space<vmem>>, vector<16xf32>,
    %mul3A_70 = arith.mulf %get3A_69, %mul3A_33 : vector<16xf32>
    %swap3A_71 = arith.constant 112 : index
    %swap3A_72 = tpu.vector_load %arg6[%swap3A_71] {strides = array<i32>} : memref<528xf32, #tpu.memory_space<vmem>>, vector<16xf32>,
    tpu.vector_store %arg6[%swap3A_71], %mul3A_70 {strides = array<i32>} : memref<528xf32, #tpu.memory_space<vmem>>, vector<16xf32>,
    %get3A_73 = arith.constant 128 : index
    %get3A_74 = tpu.vector_load %arg6[%get3A_73] {strides = array<i32>} : memref<528xf32, #tpu.memory_space<vmem>>, vector<16xf32>,
    %mul3A_75 = arith.mulf %get3A_74, %mul3A_33 : vector<16xf32>
    %swap3A_76 = arith.constant 128 : index
    %swap3A_77 = tpu.vector_load %arg6[%swap3A_76] {strides = array<i32>} : memref<528xf32, #tpu.memory_space<vmem>>, vector<16xf32>,
    tpu.vector_store %arg6[%swap3A_76], %mul3A_75 {strides = array<i32>} : memref<528xf32, #tpu.memory_space<vmem>>, vector<16xf32>,
    %get3A_78 = arith.constant 144 : index
    %get3A_79 = tpu.vector_load %arg6[%get3A_78] {strides = array<i32>} : memref<528xf32, #tpu.memory_space<vmem>>, vector<16xf32>,
    %mul3A_80 = arith.mulf %get3A_79, %mul3A_33 : vector<16xf32>
    %swap3A_81 = arith.constant 144 : index
    %swap3A_82 = tpu.vector_load %arg6[%swap3A_81] {strides = array<i32>} : memref<528xf32, #tpu.memory_space<vmem>>, vector<16xf32>,
    tpu.vector_store %arg6[%swap3A_81], %mul3A_80 {strides = array<i32>} : memref<528xf32, #tpu.memory_space<vmem>>, vector<16xf32>,
    %get3A_83 = arith.constant 160 : index
    %get3A_84 = tpu.vector_load %arg6[%get3A_83] {strides = array<i32>} : memref<528xf32, #tpu.memory_space<vmem>>, vector<16xf32>,
    %mul3A_85 = arith.mulf %get3A_84, %mul3A_33 : vector<16xf32>
    %swap3A_86 = arith.constant 160 : index
    %swap3A_87 = tpu.vector_load %arg6[%swap3A_86] {strides = array<i32>} : memref<528xf32, #tpu.memory_space<vmem>>, vector<16xf32>,
    tpu.vector_store %arg6[%swap3A_86], %mul3A_85 {strides = array<i32>} : memref<528xf32, #tpu.memory_space<vmem>>, vector<16xf32>,
    %get3A_88 = arith.constant 176 : index
    %get3A_89 = tpu.vector_load %arg6[%get3A_88] {strides = array<i32>} : memref<528xf32, #tpu.memory_space<vmem>>, vector<16xf32>,
    %mul3A_90 = arith.mulf %get3A_89, %mul3A_33 : vector<16xf32>
    %swap3A_91 = arith.constant 176 : index
    %swap3A_92 = tpu.vector_load %arg6[%swap3A_91] {strides = array<i32>} : memref<528xf32, #tpu.memory_space<vmem>>, vector<16xf32>,
    tpu.vector_store %arg6[%swap3A_91], %mul3A_90 {strides = array<i32>} : memref<528xf32, #tpu.memory_space<vmem>>, vector<16xf32>,
    %get3A_93 = arith.constant 192 : index
    %get3A_94 = tpu.vector_load %arg6[%get3A_93] {strides = array<i32>} : memref<528xf32, #tpu.memory_space<vmem>>, vector<16xf32>,
    %mul3A_95 = arith.mulf %get3A_94, %mul3A_33 : vector<16xf32>
    %swap3A_96 = arith.constant 192 : index
    %swap3A_97 = tpu.vector_load %arg6[%swap3A_96] {strides = array<i32>} : memref<528xf32, #tpu.memory_space<vmem>>, vector<16xf32>,
    tpu.vector_store %arg6[%swap3A_96], %mul3A_95 {strides = array<i32>} : memref<528xf32, #tpu.memory_space<vmem>>, vector<16xf32>,
    %get3A_98 = arith.constant 208 : index
    %get3A_99 = tpu.vector_load %arg6[%get3A_98] {strides = array<i32>} : memref<528xf32, #tpu.memory_space<vmem>>, vector<16xf32>,
    %mul3A_100 = arith.mulf %get3A_99, %mul3A_33 : vector<16xf32>
    %swap3A_101 = arith.constant 208 : index
    %swap3A_102 = tpu.vector_load %arg6[%swap3A_101] {strides = array<i32>} : memref<528xf32, #tpu.memory_space<vmem>>, vector<16xf32>,
    tpu.vector_store %arg6[%swap3A_101], %mul3A_100 {strides = array<i32>} : memref<528xf32, #tpu.memory_space<vmem>>, vector<16xf32>,
    %get3A_103 = arith.constant 224 : index
    %get3A_104 = tpu.vector_load %arg6[%get3A_103] {strides = array<i32>} : memref<528xf32, #tpu.memory_space<vmem>>, vector<16xf32>,
    %mul3A_105 = arith.mulf %get3A_104, %mul3A_33 : vector<16xf32>
    %swap3A_106 = arith.constant 224 : index
    %swap3A_107 = tpu.vector_load %arg6[%swap3A_106] {strides = array<i32>} : memref<528xf32, #tpu.memory_space<vmem>>, vector<16xf32>,
    tpu.vector_store %arg6[%swap3A_106], %mul3A_105 {strides = array<i32>} : memref<528xf32, #tpu.memory_space<vmem>>, vector<16xf32>,
    %get3A_108 = arith.constant 240 : index
    %get3A_109 = tpu.vector_load %arg6[%get3A_108] {strides = array<i32>} : memref<528xf32, #tpu.memory_space<vmem>>, vector<16xf32>,
    %mul3A_110 = arith.mulf %get3A_109, %mul3A_33 : vector<16xf32>
    %swap3A_111 = arith.constant 240 : index
    %swap3A_112 = tpu.vector_load %arg6[%swap3A_111] {strides = array<i32>} : memref<528xf32, #tpu.memory_space<vmem>>, vector<16xf32>,
    tpu.vector_store %arg6[%swap3A_111], %mul3A_110 {strides = array<i32>} : memref<528xf32, #tpu.memory_space<vmem>>, vector<16xf32>,
    %get3A_113 = arith.constant 256 : index
    %get3A_114 = tpu.vector_load %arg6[%get3A_113] {strides = array<i32>} : memref<528xf32, #tpu.memory_space<vmem>>, vector<16xf32>,
    %mul3A_115 = arith.mulf %get3A_114, %mul3A_33 : vector<16xf32>
    %swap3A_116 = arith.constant 256 : index
    %swap3A_117 = tpu.vector_load %arg6[%swap3A_116] {strides = array<i32>} : memref<528xf32, #tpu.memory_space<vmem>>, vector<16xf32>,
    tpu.vector_store %arg6[%swap3A_116], %mul3A_115 {strides = array<i32>} : memref<528xf32, #tpu.memory_space<vmem>>, vector<16xf32>,
    %get3A_118 = arith.constant 272 : index
    %get3A_119 = tpu.vector_load %arg6[%get3A_118] {strides = array<i32>} : memref<528xf32, #tpu.memory_space<vmem>>, vector<16xf32>,
    %mul3A_120 = arith.mulf %get3A_119, %mul3A_33 : vector<16xf32>
    %swap3A_121 = arith.constant 272 : index
    %swap3A_122 = tpu.vector_load %arg6[%swap3A_121] {strides = array<i32>} : memref<528xf32, #tpu.memory_space<vmem>>, vector<16xf32>,
    tpu.vector_store %arg6[%swap3A_121], %mul3A_120 {strides = array<i32>} : memref<528xf32, #tpu.memory_space<vmem>>, vector<16xf32>,
    %get3A_123 = arith.constant 288 : index
    %get3A_124 = tpu.vector_load %arg6[%get3A_123] {strides = array<i32>} : memref<528xf32, #tpu.memory_space<vmem>>, vector<16xf32>,
    %mul3A_125 = arith.mulf %get3A_124, %mul3A_33 : vector<16xf32>
    %swap3A_126 = arith.constant 288 : index
    %swap3A_127 = tpu.vector_load %arg6[%swap3A_126] {strides = array<i32>} : memref<528xf32, #tpu.memory_space<vmem>>, vector<16xf32>,
    tpu.vector_store %arg6[%swap3A_126], %mul3A_125 {strides = array<i32>} : memref<528xf32, #tpu.memory_space<vmem>>, vector<16xf32>,
    %get3A_128 = arith.constant 304 : index
    %get3A_129 = tpu.vector_load %arg6[%get3A_128] {strides = array<i32>} : memref<528xf32, #tpu.memory_space<vmem>>, vector<16xf32>,
    %mul3A_130 = arith.mulf %get3A_129, %mul3A_33 : vector<16xf32>
    %swap3A_131 = arith.constant 304 : index
    %swap3A_132 = tpu.vector_load %arg6[%swap3A_131] {strides = array<i32>} : memref<528xf32, #tpu.memory_space<vmem>>, vector<16xf32>,
    tpu.vector_store %arg6[%swap3A_131], %mul3A_130 {strides = array<i32>} : memref<528xf32, #tpu.memory_space<vmem>>, vector<16xf32>,
    %get3A_133 = arith.constant 320 : index
    %get3A_134 = tpu.vector_load %arg6[%get3A_133] {strides = array<i32>} : memref<528xf32, #tpu.memory_space<vmem>>, vector<16xf32>,
    %mul3A_135 = arith.mulf %get3A_134, %mul3A_33 : vector<16xf32>
    %swap3A_136 = arith.constant 320 : index
    %swap3A_137 = tpu.vector_load %arg6[%swap3A_136] {strides = array<i32>} : memref<528xf32, #tpu.memory_space<vmem>>, vector<16xf32>,
    tpu.vector_store %arg6[%swap3A_136], %mul3A_135 {strides = array<i32>} : memref<528xf32, #tpu.memory_space<vmem>>, vector<16xf32>,
    %get3A_138 = arith.constant 336 : index
    %get3A_139 = tpu.vector_load %arg6[%get3A_138] {strides = array<i32>} : memref<528xf32, #tpu.memory_space<vmem>>, vector<16xf32>,
    %mul3A_140 = arith.mulf %get3A_139, %mul3A_33 : vector<16xf32>
    %swap3A_141 = arith.constant 336 : index
    %swap3A_142 = tpu.vector_load %arg6[%swap3A_141] {strides = array<i32>} : memref<528xf32, #tpu.memory_space<vmem>>, vector<16xf32>,
    tpu.vector_store %arg6[%swap3A_141], %mul3A_140 {strides = array<i32>} : memref<528xf32, #tpu.memory_space<vmem>>, vector<16xf32>,
    %get3A_143 = arith.constant 352 : index
    %get3A_144 = tpu.vector_load %arg6[%get3A_143] {strides = array<i32>} : memref<528xf32, #tpu.memory_space<vmem>>, vector<16xf32>,
    %mul3A_145 = arith.mulf %get3A_144, %mul3A_33 : vector<16xf32>
    %swap3A_146 = arith.constant 352 : index
    %swap3A_147 = tpu.vector_load %arg6[%swap3A_146] {strides = array<i32>} : memref<528xf32, #tpu.memory_space<vmem>>, vector<16xf32>,
    tpu.vector_store %arg6[%swap3A_146], %mul3A_145 {strides = array<i32>} : memref<528xf32, #tpu.memory_space<vmem>>, vector<16xf32>,
    %get3A_148 = arith.constant 368 : index
    %get3A_149 = tpu.vector_load %arg6[%get3A_148] {strides = array<i32>} : memref<528xf32, #tpu.memory_space<vmem>>, vector<16xf32>,
    %mul3A_150 = arith.mulf %get3A_149, %mul3A_33 : vector<16xf32>
    %swap3A_151 = arith.constant 368 : index
    %swap3A_152 = tpu.vector_load %arg6[%swap3A_151] {strides = array<i32>} : memref<528xf32, #tpu.memory_space<vmem>>, vector<16xf32>,
    tpu.vector_store %arg6[%swap3A_151], %mul3A_150 {strides = array<i32>} : memref<528xf32, #tpu.memory_space<vmem>>, vector<16xf32>,
    %get3A_153 = arith.constant 384 : index
    %get3A_154 = tpu.vector_load %arg6[%get3A_153] {strides = array<i32>} : memref<528xf32, #tpu.memory_space<vmem>>, vector<16xf32>,
    %mul3A_155 = arith.mulf %get3A_154, %mul3A_33 : vector<16xf32>
    %swap3A_156 = arith.constant 384 : index
    %swap3A_157 = tpu.vector_load %arg6[%swap3A_156] {strides = array<i32>} : memref<528xf32, #tpu.memory_space<vmem>>, vector<16xf32>,
    tpu.vector_store %arg6[%swap3A_156], %mul3A_155 {strides = array<i32>} : memref<528xf32, #tpu.memory_space<vmem>>, vector<16xf32>,
    %get3A_158 = arith.constant 400 : index
    %get3A_159 = tpu.vector_load %arg6[%get3A_158] {strides = array<i32>} : memref<528xf32, #tpu.memory_space<vmem>>, vector<16xf32>,
    %mul3A_160 = arith.mulf %get3A_159, %mul3A_33 : vector<16xf32>
    %swap3A_161 = arith.constant 400 : index
    %swap3A_162 = tpu.vector_load %arg6[%swap3A_161] {strides = array<i32>} : memref<528xf32, #tpu.memory_space<vmem>>, vector<16xf32>,
    tpu.vector_store %arg6[%swap3A_161], %mul3A_160 {strides = array<i32>} : memref<528xf32, #tpu.memory_space<vmem>>, vector<16xf32>,
    %get3A_163 = arith.constant 416 : index
    %get3A_164 = tpu.vector_load %arg6[%get3A_163] {strides = array<i32>} : memref<528xf32, #tpu.memory_space<vmem>>, vector<16xf32>,
    %mul3A_165 = arith.mulf %get3A_164, %mul3A_33 : vector<16xf32>
    %swap3A_166 = arith.constant 416 : index
    %swap3A_167 = tpu.vector_load %arg6[%swap3A_166] {strides = array<i32>} : memref<528xf32, #tpu.memory_space<vmem>>, vector<16xf32>,
    tpu.vector_store %arg6[%swap3A_166], %mul3A_165 {strides = array<i32>} : memref<528xf32, #tpu.memory_space<vmem>>, vector<16xf32>,
    %get3A_168 = arith.constant 432 : index
    %get3A_169 = tpu.vector_load %arg6[%get3A_168] {strides = array<i32>} : memref<528xf32, #tpu.memory_space<vmem>>, vector<16xf32>,
    %mul3A_170 = arith.mulf %get3A_169, %mul3A_33 : vector<16xf32>
    %swap3A_171 = arith.constant 432 : index
    %swap3A_172 = tpu.vector_load %arg6[%swap3A_171] {strides = array<i32>} : memref<528xf32, #tpu.memory_space<vmem>>, vector<16xf32>,
    tpu.vector_store %arg6[%swap3A_171], %mul3A_170 {strides = array<i32>} : memref<528xf32, #tpu.memory_space<vmem>>, vector<16xf32>,
    %get3A_173 = arith.constant 448 : index
    %get3A_174 = tpu.vector_load %arg6[%get3A_173] {strides = array<i32>} : memref<528xf32, #tpu.memory_space<vmem>>, vector<16xf32>,
    %mul3A_175 = arith.mulf %get3A_174, %mul3A_33 : vector<16xf32>
    %swap3A_176 = arith.constant 448 : index
    %swap3A_177 = tpu.vector_load %arg6[%swap3A_176] {strides = array<i32>} : memref<528xf32, #tpu.memory_space<vmem>>, vector<16xf32>,
    tpu.vector_store %arg6[%swap3A_176], %mul3A_175 {strides = array<i32>} : memref<528xf32, #tpu.memory_space<vmem>>, vector<16xf32>,
    %get3A_178 = arith.constant 464 : index
    %get3A_179 = tpu.vector_load %arg6[%get3A_178] {strides = array<i32>} : memref<528xf32, #tpu.memory_space<vmem>>, vector<16xf32>,
    %mul3A_180 = arith.mulf %get3A_179, %mul3A_33 : vector<16xf32>
    %swap3A_181 = arith.constant 464 : index
    %swap3A_182 = tpu.vector_load %arg6[%swap3A_181] {strides = array<i32>} : memref<528xf32, #tpu.memory_space<vmem>>, vector<16xf32>,
    tpu.vector_store %arg6[%swap3A_181], %mul3A_180 {strides = array<i32>} : memref<528xf32, #tpu.memory_space<vmem>>, vector<16xf32>,
    %get3A_183 = arith.constant 480 : index
    %get3A_184 = tpu.vector_load %arg6[%get3A_183] {strides = array<i32>} : memref<528xf32, #tpu.memory_space<vmem>>, vector<16xf32>,
    %mul3A_185 = arith.mulf %get3A_184, %mul3A_33 : vector<16xf32>
    %swap3A_186 = arith.constant 480 : index
    %swap3A_187 = tpu.vector_load %arg6[%swap3A_186] {strides = array<i32>} : memref<528xf32, #tpu.memory_space<vmem>>, vector<16xf32>,
    tpu.vector_store %arg6[%swap3A_186], %mul3A_185 {strides = array<i32>} : memref<528xf32, #tpu.memory_space<vmem>>, vector<16xf32>,
    %get3A_188 = arith.constant 496 : index
    %get3A_189 = tpu.vector_load %arg6[%get3A_188] {strides = array<i32>} : memref<528xf32, #tpu.memory_space<vmem>>, vector<16xf32>,
    %mul3A_190 = arith.mulf %get3A_189, %mul3A_33 : vector<16xf32>
    %swap3A_191 = arith.constant 496 : index
    %swap3A_192 = tpu.vector_load %arg6[%swap3A_191] {strides = array<i32>} : memref<528xf32, #tpu.memory_space<vmem>>, vector<16xf32>,
    tpu.vector_store %arg6[%swap3A_191], %mul3A_190 {strides = array<i32>} : memref<528xf32, #tpu.memory_space<vmem>>, vector<16xf32>,
    %mul3A_193 = arith.constant 64 : i32
    %mul3A_194 = arith.muli %arg1, %mul3A_193 : i32
    %add3A_195 = vector.broadcast %mul3A_194 : i32 to vector<16xi32>
    %add3A_196 = arith.addi %iota3A, %add3A_195 : vector<16xi32>
    %add3A_197 = arith.constant 0 : i32
    %add3A_198 = vector.broadcast %add3A_197 : i32 to vector<16xi32>
    %add3A_199 = arith.addi %add3A_196, %add3A_198 : vector<16xi32>
    %shift_right_logical3A_200 = arith.constant 5 : i32
    %shift_right_logical3A_201 = vector.broadcast %shift_right_logical3A_200 : i32 to vector<16xi32>
    %shift_right_logical3A_202 = arith.shrui %add3A_199, %shift_right_logical3A_201 : vector<16xi32>
    %and3A = arith.constant 31 : i32
    %and3A_203 = vector.broadcast %and3A : i32 to vector<16xi32>
    %and3A_204 = arith.andi %add3A_199, %and3A_203 : vector<16xi32>
    %broadcast_in_dim3A_205 = arith.constant 9.99999996E-13 : f32
    %broadcast_in_dim3A_206 = vector.broadcast %broadcast_in_dim3A_205 : f32 to vector<16xf32>
    %shift_left3A = arith.constant 4 : i32
    %shift_left3A_207 = vector.broadcast %shift_left3A : i32 to vector<16xi32>
    %shift_left3A_208 = arith.shli %shift_right_logical3A_202, %shift_left3A_207 : vector<16xi32>
    %shift_left3A_209 = arith.constant 4 : i32
    %shift_left3A_210 = vector.broadcast %shift_left3A_209 : i32 to vector<16xi32>
    %shift_left3A_211 = arith.shli %and3A_204, %shift_left3A_210 : vector<16xi32>
    %add3A_212 = arith.constant 0 : i32
    %add3A_213 = vector.broadcast %add3A_212 : i32 to vector<16xi32>
    %add3A_214 = arith.addi %shift_left3A_208, %add3A_213 : vector<16xi32>
    %gather3A = tpu.vector_load_idx %arg6[%add3A_214] : memref<528xf32, #tpu.memory_space<vmem>>[vector<16xi32>], vector<16xf32>,
    %add3A_215 = arith.constant 0 : i32
    %add3A_216 = vector.broadcast %add3A_215 : i32 to vector<16xi32>
    %add3A_217 = arith.addi %shift_left3A_211, %add3A_216 : vector<16xi32>
    %gather3A_218 = tpu.vector_load_idx %arg6[%add3A_217] : memref<528xf32, #tpu.memory_space<vmem>>[vector<16xi32>], vector<16xf32>,
    %sub3A_219 = arith.subf %gather3A, %gather3A_218 : vector<16xf32>
    %mul3A_220 = arith.mulf %sub3A_219, %sub3A_219 : vector<16xf32>
    %add3A_221 = arith.addf %broadcast_in_dim3A_206, %mul3A_220 : vector<16xf32>
    %add3A_222 = arith.constant 1 : i32
    %add3A_223 = vector.broadcast %add3A_222 : i32 to vector<16xi32>
    %add3A_224 = arith.addi %shift_left3A_208, %add3A_223 : vector<16xi32>
    %gather3A_225 = tpu.vector_load_idx %arg6[%add3A_224] : memref<528xf32, #tpu.memory_space<vmem>>[vector<16xi32>], vector<16xf32>,
    %add3A_226 = arith.constant 1 : i32
    %add3A_227 = vector.broadcast %add3A_226 : i32 to vector<16xi32>
    %add3A_228 = arith.addi %shift_left3A_211, %add3A_227 : vector<16xi32>
    %gather3A_229 = tpu.vector_load_idx %arg6[%add3A_228] : memref<528xf32, #tpu.memory_space<vmem>>[vector<16xi32>], vector<16xf32>,
    %sub3A_230 = arith.subf %gather3A_225, %gather3A_229 : vector<16xf32>
    %mul3A_231 = arith.mulf %sub3A_230, %sub3A_230 : vector<16xf32>
    %add3A_232 = arith.addf %add3A_221, %mul3A_231 : vector<16xf32>
    %add3A_233 = arith.constant 2 : i32
    %add3A_234 = vector.broadcast %add3A_233 : i32 to vector<16xi32>
    %add3A_235 = arith.addi %shift_left3A_208, %add3A_234 : vector<16xi32>
    %gather3A_236 = tpu.vector_load_idx %arg6[%add3A_235] : memref<528xf32, #tpu.memory_space<vmem>>[vector<16xi32>], vector<16xf32>,
    %add3A_237 = arith.constant 2 : i32
    %add3A_238 = vector.broadcast %add3A_237 : i32 to vector<16xi32>
    %add3A_239 = arith.addi %shift_left3A_211, %add3A_238 : vector<16xi32>
    %gather3A_240 = tpu.vector_load_idx %arg6[%add3A_239] : memref<528xf32, #tpu.memory_space<vmem>>[vector<16xi32>], vector<16xf32>,
    %sub3A_241 = arith.subf %gather3A_236, %gather3A_240 : vector<16xf32>
    %mul3A_242 = arith.mulf %sub3A_241, %sub3A_241 : vector<16xf32>
    %add3A_243 = arith.addf %add3A_232, %mul3A_242 : vector<16xf32>
    %add3A_244 = arith.constant 3 : i32
    %add3A_245 = vector.broadcast %add3A_244 : i32 to vector<16xi32>
    %add3A_246 = arith.addi %shift_left3A_208, %add3A_245 : vector<16xi32>
    %gather3A_247 = tpu.vector_load_idx %arg6[%add3A_246] : memref<528xf32, #tpu.memory_space<vmem>>[vector<16xi32>], vector<16xf32>,
    %add3A_248 = arith.constant 3 : i32
    %add3A_249 = vector.broadcast %add3A_248 : i32 to vector<16xi32>
    %add3A_250 = arith.addi %shift_left3A_211, %add3A_249 : vector<16xi32>
    %gather3A_251 = tpu.vector_load_idx %arg6[%add3A_250] : memref<528xf32, #tpu.memory_space<vmem>>[vector<16xi32>], vector<16xf32>,
    %sub3A_252 = arith.subf %gather3A_247, %gather3A_251 : vector<16xf32>
    %mul3A_253 = arith.mulf %sub3A_252, %sub3A_252 : vector<16xf32>
    %add3A_254 = arith.addf %add3A_243, %mul3A_253 : vector<16xf32>
    %add3A_255 = arith.constant 4 : i32
    %add3A_256 = vector.broadcast %add3A_255 : i32 to vector<16xi32>
    %add3A_257 = arith.addi %shift_left3A_208, %add3A_256 : vector<16xi32>
    %gather3A_258 = tpu.vector_load_idx %arg6[%add3A_257] : memref<528xf32, #tpu.memory_space<vmem>>[vector<16xi32>], vector<16xf32>,
    %add3A_259 = arith.constant 4 : i32
    %add3A_260 = vector.broadcast %add3A_259 : i32 to vector<16xi32>
    %add3A_261 = arith.addi %shift_left3A_211, %add3A_260 : vector<16xi32>
    %gather3A_262 = tpu.vector_load_idx %arg6[%add3A_261] : memref<528xf32, #tpu.memory_space<vmem>>[vector<16xi32>], vector<16xf32>,
    %sub3A_263 = arith.subf %gather3A_258, %gather3A_262 : vector<16xf32>
    %mul3A_264 = arith.mulf %sub3A_263, %sub3A_263 : vector<16xf32>
    %add3A_265 = arith.addf %add3A_254, %mul3A_264 : vector<16xf32>
    %add3A_266 = arith.constant 5 : i32
    %add3A_267 = vector.broadcast %add3A_266 : i32 to vector<16xi32>
    %add3A_268 = arith.addi %shift_left3A_208, %add3A_267 : vector<16xi32>
    %gather3A_269 = tpu.vector_load_idx %arg6[%add3A_268] : memref<528xf32, #tpu.memory_space<vmem>>[vector<16xi32>], vector<16xf32>,
    %add3A_270 = arith.constant 5 : i32
    %add3A_271 = vector.broadcast %add3A_270 : i32 to vector<16xi32>
    %add3A_272 = arith.addi %shift_left3A_211, %add3A_271 : vector<16xi32>
    %gather3A_273 = tpu.vector_load_idx %arg6[%add3A_272] : memref<528xf32, #tpu.memory_space<vmem>>[vector<16xi32>], vector<16xf32>,
    %sub3A_274 = arith.subf %gather3A_269, %gather3A_273 : vector<16xf32>
    %mul3A_275 = arith.mulf %sub3A_274, %sub3A_274 : vector<16xf32>
    %add3A_276 = arith.addf %add3A_265, %mul3A_275 : vector<16xf32>
    %add3A_277 = arith.constant 6 : i32
    %add3A_278 = vector.broadcast %add3A_277 : i32 to vector<16xi32>
    %add3A_279 = arith.addi %shift_left3A_208, %add3A_278 : vector<16xi32>
    %gather3A_280 = tpu.vector_load_idx %arg6[%add3A_279] : memref<528xf32, #tpu.memory_space<vmem>>[vector<16xi32>], vector<16xf32>,
    %add3A_281 = arith.constant 6 : i32
    %add3A_282 = vector.broadcast %add3A_281 : i32 to vector<16xi32>
    %add3A_283 = arith.addi %shift_left3A_211, %add3A_282 : vector<16xi32>
    %gather3A_284 = tpu.vector_load_idx %arg6[%add3A_283] : memref<528xf32, #tpu.memory_space<vmem>>[vector<16xi32>], vector<16xf32>,
    %sub3A_285 = arith.subf %gather3A_280, %gather3A_284 : vector<16xf32>
    %mul3A_286 = arith.mulf %sub3A_285, %sub3A_285 : vector<16xf32>
    %add3A_287 = arith.addf %add3A_276, %mul3A_286 : vector<16xf32>
    %add3A_288 = arith.constant 7 : i32
    %add3A_289 = vector.broadcast %add3A_288 : i32 to vector<16xi32>
    %add3A_290 = arith.addi %shift_left3A_208, %add3A_289 : vector<16xi32>
    %gather3A_291 = tpu.vector_load_idx %arg6[%add3A_290] : memref<528xf32, #tpu.memory_space<vmem>>[vector<16xi32>], vector<16xf32>,
    %add3A_292 = arith.constant 7 : i32
    %add3A_293 = vector.broadcast %add3A_292 : i32 to vector<16xi32>
    %add3A_294 = arith.addi %shift_left3A_211, %add3A_293 : vector<16xi32>
    %gather3A_295 = tpu.vector_load_idx %arg6[%add3A_294] : memref<528xf32, #tpu.memory_space<vmem>>[vector<16xi32>], vector<16xf32>,
    %sub3A_296 = arith.subf %gather3A_291, %gather3A_295 : vector<16xf32>
    %mul3A_297 = arith.mulf %sub3A_296, %sub3A_296 : vector<16xf32>
    %add3A_298 = arith.addf %add3A_287, %mul3A_297 : vector<16xf32>
    %add3A_299 = arith.constant 8 : i32
    %add3A_300 = vector.broadcast %add3A_299 : i32 to vector<16xi32>
    %add3A_301 = arith.addi %shift_left3A_208, %add3A_300 : vector<16xi32>
    %gather3A_302 = tpu.vector_load_idx %arg6[%add3A_301] : memref<528xf32, #tpu.memory_space<vmem>>[vector<16xi32>], vector<16xf32>,
    %add3A_303 = arith.constant 8 : i32
    %add3A_304 = vector.broadcast %add3A_303 : i32 to vector<16xi32>
    %add3A_305 = arith.addi %shift_left3A_211, %add3A_304 : vector<16xi32>
    %gather3A_306 = tpu.vector_load_idx %arg6[%add3A_305] : memref<528xf32, #tpu.memory_space<vmem>>[vector<16xi32>], vector<16xf32>,
    %sub3A_307 = arith.subf %gather3A_302, %gather3A_306 : vector<16xf32>
    %mul3A_308 = arith.mulf %sub3A_307, %sub3A_307 : vector<16xf32>
    %add3A_309 = arith.addf %add3A_298, %mul3A_308 : vector<16xf32>
    %add3A_310 = arith.constant 9 : i32
    %add3A_311 = vector.broadcast %add3A_310 : i32 to vector<16xi32>
    %add3A_312 = arith.addi %shift_left3A_208, %add3A_311 : vector<16xi32>
    %gather3A_313 = tpu.vector_load_idx %arg6[%add3A_312] : memref<528xf32, #tpu.memory_space<vmem>>[vector<16xi32>], vector<16xf32>,
    %add3A_314 = arith.constant 9 : i32
    %add3A_315 = vector.broadcast %add3A_314 : i32 to vector<16xi32>
    %add3A_316 = arith.addi %shift_left3A_211, %add3A_315 : vector<16xi32>
    %gather3A_317 = tpu.vector_load_idx %arg6[%add3A_316] : memref<528xf32, #tpu.memory_space<vmem>>[vector<16xi32>], vector<16xf32>,
    %sub3A_318 = arith.subf %gather3A_313, %gather3A_317 : vector<16xf32>
    %mul3A_319 = arith.mulf %sub3A_318, %sub3A_318 : vector<16xf32>
    %add3A_320 = arith.addf %add3A_309, %mul3A_319 : vector<16xf32>
    %bitcast3A_321 = vector.bitcast %add3A_320 : vector<16xf32> to vector<16xi32>
    %broadcast_in_dim3A_322 = arith.constant 1597463007 : i32
    %broadcast_in_dim3A_323 = vector.broadcast %broadcast_in_dim3A_322 : i32 to vector<16xi32>
    %shift_right_logical3A_324 = arith.constant 1 : i32
    %shift_right_logical3A_325 = vector.broadcast %shift_right_logical3A_324 : i32 to vector<16xi32>
    %shift_right_logical3A_326 = arith.shrui %bitcast3A_321, %shift_right_logical3A_325 : vector<16xi32>
    %sub3A_327 = arith.subi %broadcast_in_dim3A_323, %shift_right_logical3A_326 : vector<16xi32>
    %bitcast3A_328 = vector.bitcast %sub3A_327 : vector<16xi32> to vector<16xf32>
    %mul3A_329 = arith.constant 5.000000e-01 : f32
    %mul3A_330 = vector.broadcast %mul3A_329 : f32 to vector<16xf32>
    %mul3A_331 = arith.mulf %add3A_320, %mul3A_330 : vector<16xf32>
    %mul3A_332 = arith.mulf %mul3A_331, %bitcast3A_328 : vector<16xf32>
    %mul3A_333 = arith.mulf %mul3A_332, %bitcast3A_328 : vector<16xf32>
    %sub3A_334 = arith.constant 1.500000e+00 : f32
    %sub3A_335 = vector.broadcast %sub3A_334 : f32 to vector<16xf32>
    %sub3A_336 = arith.subf %sub3A_335, %mul3A_333 : vector<16xf32>
    %mul3A_337 = arith.mulf %bitcast3A_328, %sub3A_336 : vector<16xf32>
    %mul3A_338 = arith.mulf %mul3A_331, %mul3A_337 : vector<16xf32>
    %mul3A_339 = arith.mulf %mul3A_338, %mul3A_337 : vector<16xf32>
    %sub3A_340 = arith.constant 1.500000e+00 : f32
    %sub3A_341 = vector.broadcast %sub3A_340 : f32 to vector<16xf32>
    %sub3A_342 = arith.subf %sub3A_341, %mul3A_339 : vector<16xf32>
    %mul3A_343 = arith.mulf %mul3A_337, %sub3A_342 : vector<16xf32>
    %mul3A_344 = arith.mulf %mul3A_331, %mul3A_343 : vector<16xf32>
    %mul3A_345 = arith.mulf %mul3A_344, %mul3A_343 : vector<16xf32>
    %sub3A_346 = arith.constant 1.500000e+00 : f32
    %sub3A_347 = vector.broadcast %sub3A_346 : f32 to vector<16xf32>
    %sub3A_348 = arith.subf %sub3A_347, %mul3A_345 : vector<16xf32>
    %mul3A_349 = arith.mulf %mul3A_343, %sub3A_348 : vector<16xf32>
    %mul3A_350 = arith.mulf %add3A_320, %mul3A_349 : vector<16xf32>
    %swap3A_351 = arith.constant 0 : index
    %swap3A_352 = tpu.vector_load %arg8[%swap3A_351] {strides = array<i32>} : memref<64xf32, #tpu.memory_space<vmem>>, vector<16xf32>,
    tpu.vector_store %arg8[%swap3A_351], %mul3A_350 {strides = array<i32>} : memref<64xf32, #tpu.memory_space<vmem>>, vector<16xf32>,
    %mul3A_353 = arith.constant 64 : i32
    %mul3A_354 = arith.muli %arg1, %mul3A_353 : i32
    %add3A_355 = vector.broadcast %mul3A_354 : i32 to vector<16xi32>
    %add3A_356 = arith.addi %iota3A, %add3A_355 : vector<16xi32>
    %add3A_357 = arith.constant 16 : i32
    %add3A_358 = vector.broadcast %add3A_357 : i32 to vector<16xi32>
    %add3A_359 = arith.addi %add3A_356, %add3A_358 : vector<16xi32>
    %shift_right_logical3A_360 = arith.constant 5 : i32
    %shift_right_logical3A_361 = vector.broadcast %shift_right_logical3A_360 : i32 to vector<16xi32>
    %shift_right_logical3A_362 = arith.shrui %add3A_359, %shift_right_logical3A_361 : vector<16xi32>
    %and3A_363 = arith.constant 31 : i32
    %and3A_364 = vector.broadcast %and3A_363 : i32 to vector<16xi32>
    %and3A_365 = arith.andi %add3A_359, %and3A_364 : vector<16xi32>
    %broadcast_in_dim3A_366 = arith.constant 9.99999996E-13 : f32
    %broadcast_in_dim3A_367 = vector.broadcast %broadcast_in_dim3A_366 : f32 to vector<16xf32>
    %shift_left3A_368 = arith.constant 4 : i32
    %shift_left3A_369 = vector.broadcast %shift_left3A_368 : i32 to vector<16xi32>
    %shift_left3A_370 = arith.shli %shift_right_logical3A_362, %shift_left3A_369 : vector<16xi32>
    %shift_left3A_371 = arith.constant 4 : i32
    %shift_left3A_372 = vector.broadcast %shift_left3A_371 : i32 to vector<16xi32>
    %shift_left3A_373 = arith.shli %and3A_365, %shift_left3A_372 : vector<16xi32>
    %add3A_374 = arith.constant 0 : i32
    %add3A_375 = vector.broadcast %add3A_374 : i32 to vector<16xi32>
    %add3A_376 = arith.addi %shift_left3A_370, %add3A_375 : vector<16xi32>
    %gather3A_377 = tpu.vector_load_idx %arg6[%add3A_376] : memref<528xf32, #tpu.memory_space<vmem>>[vector<16xi32>], vector<16xf32>,
    %add3A_378 = arith.constant 0 : i32
    %add3A_379 = vector.broadcast %add3A_378 : i32 to vector<16xi32>
    %add3A_380 = arith.addi %shift_left3A_373, %add3A_379 : vector<16xi32>
    %gather3A_381 = tpu.vector_load_idx %arg6[%add3A_380] : memref<528xf32, #tpu.memory_space<vmem>>[vector<16xi32>], vector<16xf32>,
    %sub3A_382 = arith.subf %gather3A_377, %gather3A_381 : vector<16xf32>
    %mul3A_383 = arith.mulf %sub3A_382, %sub3A_382 : vector<16xf32>
    %add3A_384 = arith.addf %broadcast_in_dim3A_367, %mul3A_383 : vector<16xf32>
    %add3A_385 = arith.constant 1 : i32
    %add3A_386 = vector.broadcast %add3A_385 : i32 to vector<16xi32>
    %add3A_387 = arith.addi %shift_left3A_370, %add3A_386 : vector<16xi32>
    %gather3A_388 = tpu.vector_load_idx %arg6[%add3A_387] : memref<528xf32, #tpu.memory_space<vmem>>[vector<16xi32>], vector<16xf32>,
    %add3A_389 = arith.constant 1 : i32
    %add3A_390 = vector.broadcast %add3A_389 : i32 to vector<16xi32>
    %add3A_391 = arith.addi %shift_left3A_373, %add3A_390 : vector<16xi32>
    %gather3A_392 = tpu.vector_load_idx %arg6[%add3A_391] : memref<528xf32, #tpu.memory_space<vmem>>[vector<16xi32>], vector<16xf32>,
    %sub3A_393 = arith.subf %gather3A_388, %gather3A_392 : vector<16xf32>
    %mul3A_394 = arith.mulf %sub3A_393, %sub3A_393 : vector<16xf32>
    %add3A_395 = arith.addf %add3A_384, %mul3A_394 : vector<16xf32>
    %add3A_396 = arith.constant 2 : i32
    %add3A_397 = vector.broadcast %add3A_396 : i32 to vector<16xi32>
    %add3A_398 = arith.addi %shift_left3A_370, %add3A_397 : vector<16xi32>
    %gather3A_399 = tpu.vector_load_idx %arg6[%add3A_398] : memref<528xf32, #tpu.memory_space<vmem>>[vector<16xi32>], vector<16xf32>,
    %add3A_400 = arith.constant 2 : i32
    %add3A_401 = vector.broadcast %add3A_400 : i32 to vector<16xi32>
    %add3A_402 = arith.addi %shift_left3A_373, %add3A_401 : vector<16xi32>
    %gather3A_403 = tpu.vector_load_idx %arg6[%add3A_402] : memref<528xf32, #tpu.memory_space<vmem>>[vector<16xi32>], vector<16xf32>,
    %sub3A_404 = arith.subf %gather3A_399, %gather3A_403 : vector<16xf32>
    %mul3A_405 = arith.mulf %sub3A_404, %sub3A_404 : vector<16xf32>
    %add3A_406 = arith.addf %add3A_395, %mul3A_405 : vector<16xf32>
    %add3A_407 = arith.constant 3 : i32
    %add3A_408 = vector.broadcast %add3A_407 : i32 to vector<16xi32>
    %add3A_409 = arith.addi %shift_left3A_370, %add3A_408 : vector<16xi32>
    %gather3A_410 = tpu.vector_load_idx %arg6[%add3A_409] : memref<528xf32, #tpu.memory_space<vmem>>[vector<16xi32>], vector<16xf32>,
    %add3A_411 = arith.constant 3 : i32
    %add3A_412 = vector.broadcast %add3A_411 : i32 to vector<16xi32>
    %add3A_413 = arith.addi %shift_left3A_373, %add3A_412 : vector<16xi32>
    %gather3A_414 = tpu.vector_load_idx %arg6[%add3A_413] : memref<528xf32, #tpu.memory_space<vmem>>[vector<16xi32>], vector<16xf32>,
    %sub3A_415 = arith.subf %gather3A_410, %gather3A_414 : vector<16xf32>
    %mul3A_416 = arith.mulf %sub3A_415, %sub3A_415 : vector<16xf32>
    %add3A_417 = arith.addf %add3A_406, %mul3A_416 : vector<16xf32>
    %add3A_418 = arith.constant 4 : i32
    %add3A_419 = vector.broadcast %add3A_418 : i32 to vector<16xi32>
    %add3A_420 = arith.addi %shift_left3A_370, %add3A_419 : vector<16xi32>
    %gather3A_421 = tpu.vector_load_idx %arg6[%add3A_420] : memref<528xf32, #tpu.memory_space<vmem>>[vector<16xi32>], vector<16xf32>,
    %add3A_422 = arith.constant 4 : i32
    %add3A_423 = vector.broadcast %add3A_422 : i32 to vector<16xi32>
    %add3A_424 = arith.addi %shift_left3A_373, %add3A_423 : vector<16xi32>
    %gather3A_425 = tpu.vector_load_idx %arg6[%add3A_424] : memref<528xf32, #tpu.memory_space<vmem>>[vector<16xi32>], vector<16xf32>,
    %sub3A_426 = arith.subf %gather3A_421, %gather3A_425 : vector<16xf32>
    %mul3A_427 = arith.mulf %sub3A_426, %sub3A_426 : vector<16xf32>
    %add3A_428 = arith.addf %add3A_417, %mul3A_427 : vector<16xf32>
    %add3A_429 = arith.constant 5 : i32
    %add3A_430 = vector.broadcast %add3A_429 : i32 to vector<16xi32>
    %add3A_431 = arith.addi %shift_left3A_370, %add3A_430 : vector<16xi32>
    %gather3A_432 = tpu.vector_load_idx %arg6[%add3A_431] : memref<528xf32, #tpu.memory_space<vmem>>[vector<16xi32>], vector<16xf32>,
    %add3A_433 = arith.constant 5 : i32
    %add3A_434 = vector.broadcast %add3A_433 : i32 to vector<16xi32>
    %add3A_435 = arith.addi %shift_left3A_373, %add3A_434 : vector<16xi32>
    %gather3A_436 = tpu.vector_load_idx %arg6[%add3A_435] : memref<528xf32, #tpu.memory_space<vmem>>[vector<16xi32>], vector<16xf32>,
    %sub3A_437 = arith.subf %gather3A_432, %gather3A_436 : vector<16xf32>
    %mul3A_438 = arith.mulf %sub3A_437, %sub3A_437 : vector<16xf32>
    %add3A_439 = arith.addf %add3A_428, %mul3A_438 : vector<16xf32>
    %add3A_440 = arith.constant 6 : i32
    %add3A_441 = vector.broadcast %add3A_440 : i32 to vector<16xi32>
    %add3A_442 = arith.addi %shift_left3A_370, %add3A_441 : vector<16xi32>
    %gather3A_443 = tpu.vector_load_idx %arg6[%add3A_442] : memref<528xf32, #tpu.memory_space<vmem>>[vector<16xi32>], vector<16xf32>,
    %add3A_444 = arith.constant 6 : i32
    %add3A_445 = vector.broadcast %add3A_444 : i32 to vector<16xi32>
    %add3A_446 = arith.addi %shift_left3A_373, %add3A_445 : vector<16xi32>
    %gather3A_447 = tpu.vector_load_idx %arg6[%add3A_446] : memref<528xf32, #tpu.memory_space<vmem>>[vector<16xi32>], vector<16xf32>,
    %sub3A_448 = arith.subf %gather3A_443, %gather3A_447 : vector<16xf32>
    %mul3A_449 = arith.mulf %sub3A_448, %sub3A_448 : vector<16xf32>
    %add3A_450 = arith.addf %add3A_439, %mul3A_449 : vector<16xf32>
    %add3A_451 = arith.constant 7 : i32
    %add3A_452 = vector.broadcast %add3A_451 : i32 to vector<16xi32>
    %add3A_453 = arith.addi %shift_left3A_370, %add3A_452 : vector<16xi32>
    %gather3A_454 = tpu.vector_load_idx %arg6[%add3A_453] : memref<528xf32, #tpu.memory_space<vmem>>[vector<16xi32>], vector<16xf32>,
    %add3A_455 = arith.constant 7 : i32
    %add3A_456 = vector.broadcast %add3A_455 : i32 to vector<16xi32>
    %add3A_457 = arith.addi %shift_left3A_373, %add3A_456 : vector<16xi32>
    %gather3A_458 = tpu.vector_load_idx %arg6[%add3A_457] : memref<528xf32, #tpu.memory_space<vmem>>[vector<16xi32>], vector<16xf32>,
    %sub3A_459 = arith.subf %gather3A_454, %gather3A_458 : vector<16xf32>
    %mul3A_460 = arith.mulf %sub3A_459, %sub3A_459 : vector<16xf32>
    %add3A_461 = arith.addf %add3A_450, %mul3A_460 : vector<16xf32>
    %add3A_462 = arith.constant 8 : i32
    %add3A_463 = vector.broadcast %add3A_462 : i32 to vector<16xi32>
    %add3A_464 = arith.addi %shift_left3A_370, %add3A_463 : vector<16xi32>
    %gather3A_465 = tpu.vector_load_idx %arg6[%add3A_464] : memref<528xf32, #tpu.memory_space<vmem>>[vector<16xi32>], vector<16xf32>,
    %add3A_466 = arith.constant 8 : i32
    %add3A_467 = vector.broadcast %add3A_466 : i32 to vector<16xi32>
    %add3A_468 = arith.addi %shift_left3A_373, %add3A_467 : vector<16xi32>
    %gather3A_469 = tpu.vector_load_idx %arg6[%add3A_468] : memref<528xf32, #tpu.memory_space<vmem>>[vector<16xi32>], vector<16xf32>,
    %sub3A_470 = arith.subf %gather3A_465, %gather3A_469 : vector<16xf32>
    %mul3A_471 = arith.mulf %sub3A_470, %sub3A_470 : vector<16xf32>
    %add3A_472 = arith.addf %add3A_461, %mul3A_471 : vector<16xf32>
    %add3A_473 = arith.constant 9 : i32
    %add3A_474 = vector.broadcast %add3A_473 : i32 to vector<16xi32>
    %add3A_475 = arith.addi %shift_left3A_370, %add3A_474 : vector<16xi32>
    %gather3A_476 = tpu.vector_load_idx %arg6[%add3A_475] : memref<528xf32, #tpu.memory_space<vmem>>[vector<16xi32>], vector<16xf32>,
    %add3A_477 = arith.constant 9 : i32
    %add3A_478 = vector.broadcast %add3A_477 : i32 to vector<16xi32>
    %add3A_479 = arith.addi %shift_left3A_373, %add3A_478 : vector<16xi32>
    %gather3A_480 = tpu.vector_load_idx %arg6[%add3A_479] : memref<528xf32, #tpu.memory_space<vmem>>[vector<16xi32>], vector<16xf32>,
    %sub3A_481 = arith.subf %gather3A_476, %gather3A_480 : vector<16xf32>
    %mul3A_482 = arith.mulf %sub3A_481, %sub3A_481 : vector<16xf32>
    %add3A_483 = arith.addf %add3A_472, %mul3A_482 : vector<16xf32>
    %bitcast3A_484 = vector.bitcast %add3A_483 : vector<16xf32> to vector<16xi32>
    %broadcast_in_dim3A_485 = arith.constant 1597463007 : i32
    %broadcast_in_dim3A_486 = vector.broadcast %broadcast_in_dim3A_485 : i32 to vector<16xi32>
    %shift_right_logical3A_487 = arith.constant 1 : i32
    %shift_right_logical3A_488 = vector.broadcast %shift_right_logical3A_487 : i32 to vector<16xi32>
    %shift_right_logical3A_489 = arith.shrui %bitcast3A_484, %shift_right_logical3A_488 : vector<16xi32>
    %sub3A_490 = arith.subi %broadcast_in_dim3A_486, %shift_right_logical3A_489 : vector<16xi32>
    %bitcast3A_491 = vector.bitcast %sub3A_490 : vector<16xi32> to vector<16xf32>
    %mul3A_492 = arith.constant 5.000000e-01 : f32
    %mul3A_493 = vector.broadcast %mul3A_492 : f32 to vector<16xf32>
    %mul3A_494 = arith.mulf %add3A_483, %mul3A_493 : vector<16xf32>
    %mul3A_495 = arith.mulf %mul3A_494, %bitcast3A_491 : vector<16xf32>
    %mul3A_496 = arith.mulf %mul3A_495, %bitcast3A_491 : vector<16xf32>
    %sub3A_497 = arith.constant 1.500000e+00 : f32
    %sub3A_498 = vector.broadcast %sub3A_497 : f32 to vector<16xf32>
    %sub3A_499 = arith.subf %sub3A_498, %mul3A_496 : vector<16xf32>
    %mul3A_500 = arith.mulf %bitcast3A_491, %sub3A_499 : vector<16xf32>
    %mul3A_501 = arith.mulf %mul3A_494, %mul3A_500 : vector<16xf32>
    %mul3A_502 = arith.mulf %mul3A_501, %mul3A_500 : vector<16xf32>
    %sub3A_503 = arith.constant 1.500000e+00 : f32
    %sub3A_504 = vector.broadcast %sub3A_503 : f32 to vector<16xf32>
    %sub3A_505 = arith.subf %sub3A_504, %mul3A_502 : vector<16xf32>
    %mul3A_506 = arith.mulf %mul3A_500, %sub3A_505 : vector<16xf32>
    %mul3A_507 = arith.mulf %mul3A_494, %mul3A_506 : vector<16xf32>
    %mul3A_508 = arith.mulf %mul3A_507, %mul3A_506 : vector<16xf32>
    %sub3A_509 = arith.constant 1.500000e+00 : f32
    %sub3A_510 = vector.broadcast %sub3A_509 : f32 to vector<16xf32>
    %sub3A_511 = arith.subf %sub3A_510, %mul3A_508 : vector<16xf32>
    %mul3A_512 = arith.mulf %mul3A_506, %sub3A_511 : vector<16xf32>
    %mul3A_513 = arith.mulf %add3A_483, %mul3A_512 : vector<16xf32>
    %swap3A_514 = arith.constant 16 : index
    %swap3A_515 = tpu.vector_load %arg8[%swap3A_514] {strides = array<i32>} : memref<64xf32, #tpu.memory_space<vmem>>, vector<16xf32>,
    tpu.vector_store %arg8[%swap3A_514], %mul3A_513 {strides = array<i32>} : memref<64xf32, #tpu.memory_space<vmem>>, vector<16xf32>,
    %mul3A_516 = arith.constant 64 : i32
    %mul3A_517 = arith.muli %arg1, %mul3A_516 : i32
    %add3A_518 = vector.broadcast %mul3A_517 : i32 to vector<16xi32>
    %add3A_519 = arith.addi %iota3A, %add3A_518 : vector<16xi32>
    %add3A_520 = arith.constant 32 : i32
    %add3A_521 = vector.broadcast %add3A_520 : i32 to vector<16xi32>
    %add3A_522 = arith.addi %add3A_519, %add3A_521 : vector<16xi32>
    %shift_right_logical3A_523 = arith.constant 5 : i32
    %shift_right_logical3A_524 = vector.broadcast %shift_right_logical3A_523 : i32 to vector<16xi32>
    %shift_right_logical3A_525 = arith.shrui %add3A_522, %shift_right_logical3A_524 : vector<16xi32>
    %and3A_526 = arith.constant 31 : i32
    %and3A_527 = vector.broadcast %and3A_526 : i32 to vector<16xi32>
    %and3A_528 = arith.andi %add3A_522, %and3A_527 : vector<16xi32>
    %broadcast_in_dim3A_529 = arith.constant 9.99999996E-13 : f32
    %broadcast_in_dim3A_530 = vector.broadcast %broadcast_in_dim3A_529 : f32 to vector<16xf32>
    %shift_left3A_531 = arith.constant 4 : i32
    %shift_left3A_532 = vector.broadcast %shift_left3A_531 : i32 to vector<16xi32>
    %shift_left3A_533 = arith.shli %shift_right_logical3A_525, %shift_left3A_532 : vector<16xi32>
    %shift_left3A_534 = arith.constant 4 : i32
    %shift_left3A_535 = vector.broadcast %shift_left3A_534 : i32 to vector<16xi32>
    %shift_left3A_536 = arith.shli %and3A_528, %shift_left3A_535 : vector<16xi32>
    %add3A_537 = arith.constant 0 : i32
    %add3A_538 = vector.broadcast %add3A_537 : i32 to vector<16xi32>
    %add3A_539 = arith.addi %shift_left3A_533, %add3A_538 : vector<16xi32>
    %gather3A_540 = tpu.vector_load_idx %arg6[%add3A_539] : memref<528xf32, #tpu.memory_space<vmem>>[vector<16xi32>], vector<16xf32>,
    %add3A_541 = arith.constant 0 : i32
    %add3A_542 = vector.broadcast %add3A_541 : i32 to vector<16xi32>
    %add3A_543 = arith.addi %shift_left3A_536, %add3A_542 : vector<16xi32>
    %gather3A_544 = tpu.vector_load_idx %arg6[%add3A_543] : memref<528xf32, #tpu.memory_space<vmem>>[vector<16xi32>], vector<16xf32>,
    %sub3A_545 = arith.subf %gather3A_540, %gather3A_544 : vector<16xf32>
    %mul3A_546 = arith.mulf %sub3A_545, %sub3A_545 : vector<16xf32>
    %add3A_547 = arith.addf %broadcast_in_dim3A_530, %mul3A_546 : vector<16xf32>
    %add3A_548 = arith.constant 1 : i32
    %add3A_549 = vector.broadcast %add3A_548 : i32 to vector<16xi32>
    %add3A_550 = arith.addi %shift_left3A_533, %add3A_549 : vector<16xi32>
    %gather3A_551 = tpu.vector_load_idx %arg6[%add3A_550] : memref<528xf32, #tpu.memory_space<vmem>>[vector<16xi32>], vector<16xf32>,
    %add3A_552 = arith.constant 1 : i32
    %add3A_553 = vector.broadcast %add3A_552 : i32 to vector<16xi32>
    %add3A_554 = arith.addi %shift_left3A_536, %add3A_553 : vector<16xi32>
    %gather3A_555 = tpu.vector_load_idx %arg6[%add3A_554] : memref<528xf32, #tpu.memory_space<vmem>>[vector<16xi32>], vector<16xf32>,
    %sub3A_556 = arith.subf %gather3A_551, %gather3A_555 : vector<16xf32>
    %mul3A_557 = arith.mulf %sub3A_556, %sub3A_556 : vector<16xf32>
    %add3A_558 = arith.addf %add3A_547, %mul3A_557 : vector<16xf32>
    %add3A_559 = arith.constant 2 : i32
    %add3A_560 = vector.broadcast %add3A_559 : i32 to vector<16xi32>
    %add3A_561 = arith.addi %shift_left3A_533, %add3A_560 : vector<16xi32>
    %gather3A_562 = tpu.vector_load_idx %arg6[%add3A_561] : memref<528xf32, #tpu.memory_space<vmem>>[vector<16xi32>], vector<16xf32>,
    %add3A_563 = arith.constant 2 : i32
    %add3A_564 = vector.broadcast %add3A_563 : i32 to vector<16xi32>
    %add3A_565 = arith.addi %shift_left3A_536, %add3A_564 : vector<16xi32>
    %gather3A_566 = tpu.vector_load_idx %arg6[%add3A_565] : memref<528xf32, #tpu.memory_space<vmem>>[vector<16xi32>], vector<16xf32>,
    %sub3A_567 = arith.subf %gather3A_562, %gather3A_566 : vector<16xf32>
    %mul3A_568 = arith.mulf %sub3A_567, %sub3A_567 : vector<16xf32>
    %add3A_569 = arith.addf %add3A_558, %mul3A_568 : vector<16xf32>
    %add3A_570 = arith.constant 3 : i32
    %add3A_571 = vector.broadcast %add3A_570 : i32 to vector<16xi32>
    %add3A_572 = arith.addi %shift_left3A_533, %add3A_571 : vector<16xi32>
    %gather3A_573 = tpu.vector_load_idx %arg6[%add3A_572] : memref<528xf32, #tpu.memory_space<vmem>>[vector<16xi32>], vector<16xf32>,
    %add3A_574 = arith.constant 3 : i32
    %add3A_575 = vector.broadcast %add3A_574 : i32 to vector<16xi32>
    %add3A_576 = arith.addi %shift_left3A_536, %add3A_575 : vector<16xi32>
    %gather3A_577 = tpu.vector_load_idx %arg6[%add3A_576] : memref<528xf32, #tpu.memory_space<vmem>>[vector<16xi32>], vector<16xf32>,
    %sub3A_578 = arith.subf %gather3A_573, %gather3A_577 : vector<16xf32>
    %mul3A_579 = arith.mulf %sub3A_578, %sub3A_578 : vector<16xf32>
    %add3A_580 = arith.addf %add3A_569, %mul3A_579 : vector<16xf32>
    %add3A_581 = arith.constant 4 : i32
    %add3A_582 = vector.broadcast %add3A_581 : i32 to vector<16xi32>
    %add3A_583 = arith.addi %shift_left3A_533, %add3A_582 : vector<16xi32>
    %gather3A_584 = tpu.vector_load_idx %arg6[%add3A_583] : memref<528xf32, #tpu.memory_space<vmem>>[vector<16xi32>], vector<16xf32>,
    %add3A_585 = arith.constant 4 : i32
    %add3A_586 = vector.broadcast %add3A_585 : i32 to vector<16xi32>
    %add3A_587 = arith.addi %shift_left3A_536, %add3A_586 : vector<16xi32>
    %gather3A_588 = tpu.vector_load_idx %arg6[%add3A_587] : memref<528xf32, #tpu.memory_space<vmem>>[vector<16xi32>], vector<16xf32>,
    %sub3A_589 = arith.subf %gather3A_584, %gather3A_588 : vector<16xf32>
    %mul3A_590 = arith.mulf %sub3A_589, %sub3A_589 : vector<16xf32>
    %add3A_591 = arith.addf %add3A_580, %mul3A_590 : vector<16xf32>
    %add3A_592 = arith.constant 5 : i32
    %add3A_593 = vector.broadcast %add3A_592 : i32 to vector<16xi32>
    %add3A_594 = arith.addi %shift_left3A_533, %add3A_593 : vector<16xi32>
    %gather3A_595 = tpu.vector_load_idx %arg6[%add3A_594] : memref<528xf32, #tpu.memory_space<vmem>>[vector<16xi32>], vector<16xf32>,
    %add3A_596 = arith.constant 5 : i32
    %add3A_597 = vector.broadcast %add3A_596 : i32 to vector<16xi32>
    %add3A_598 = arith.addi %shift_left3A_536, %add3A_597 : vector<16xi32>
    %gather3A_599 = tpu.vector_load_idx %arg6[%add3A_598] : memref<528xf32, #tpu.memory_space<vmem>>[vector<16xi32>], vector<16xf32>,
    %sub3A_600 = arith.subf %gather3A_595, %gather3A_599 : vector<16xf32>
    %mul3A_601 = arith.mulf %sub3A_600, %sub3A_600 : vector<16xf32>
    %add3A_602 = arith.addf %add3A_591, %mul3A_601 : vector<16xf32>
    %add3A_603 = arith.constant 6 : i32
    %add3A_604 = vector.broadcast %add3A_603 : i32 to vector<16xi32>
    %add3A_605 = arith.addi %shift_left3A_533, %add3A_604 : vector<16xi32>
    %gather3A_606 = tpu.vector_load_idx %arg6[%add3A_605] : memref<528xf32, #tpu.memory_space<vmem>>[vector<16xi32>], vector<16xf32>,
    %add3A_607 = arith.constant 6 : i32
    %add3A_608 = vector.broadcast %add3A_607 : i32 to vector<16xi32>
    %add3A_609 = arith.addi %shift_left3A_536, %add3A_608 : vector<16xi32>
    %gather3A_610 = tpu.vector_load_idx %arg6[%add3A_609] : memref<528xf32, #tpu.memory_space<vmem>>[vector<16xi32>], vector<16xf32>,
    %sub3A_611 = arith.subf %gather3A_606, %gather3A_610 : vector<16xf32>
    %mul3A_612 = arith.mulf %sub3A_611, %sub3A_611 : vector<16xf32>
    %add3A_613 = arith.addf %add3A_602, %mul3A_612 : vector<16xf32>
    %add3A_614 = arith.constant 7 : i32
    %add3A_615 = vector.broadcast %add3A_614 : i32 to vector<16xi32>
    %add3A_616 = arith.addi %shift_left3A_533, %add3A_615 : vector<16xi32>
    %gather3A_617 = tpu.vector_load_idx %arg6[%add3A_616] : memref<528xf32, #tpu.memory_space<vmem>>[vector<16xi32>], vector<16xf32>,
    %add3A_618 = arith.constant 7 : i32
    %add3A_619 = vector.broadcast %add3A_618 : i32 to vector<16xi32>
    %add3A_620 = arith.addi %shift_left3A_536, %add3A_619 : vector<16xi32>
    %gather3A_621 = tpu.vector_load_idx %arg6[%add3A_620] : memref<528xf32, #tpu.memory_space<vmem>>[vector<16xi32>], vector<16xf32>,
    %sub3A_622 = arith.subf %gather3A_617, %gather3A_621 : vector<16xf32>
    %mul3A_623 = arith.mulf %sub3A_622, %sub3A_622 : vector<16xf32>
    %add3A_624 = arith.addf %add3A_613, %mul3A_623 : vector<16xf32>
    %add3A_625 = arith.constant 8 : i32
    %add3A_626 = vector.broadcast %add3A_625 : i32 to vector<16xi32>
    %add3A_627 = arith.addi %shift_left3A_533, %add3A_626 : vector<16xi32>
    %gather3A_628 = tpu.vector_load_idx %arg6[%add3A_627] : memref<528xf32, #tpu.memory_space<vmem>>[vector<16xi32>], vector<16xf32>,
    %add3A_629 = arith.constant 8 : i32
    %add3A_630 = vector.broadcast %add3A_629 : i32 to vector<16xi32>
    %add3A_631 = arith.addi %shift_left3A_536, %add3A_630 : vector<16xi32>
    %gather3A_632 = tpu.vector_load_idx %arg6[%add3A_631] : memref<528xf32, #tpu.memory_space<vmem>>[vector<16xi32>], vector<16xf32>,
    %sub3A_633 = arith.subf %gather3A_628, %gather3A_632 : vector<16xf32>
    %mul3A_634 = arith.mulf %sub3A_633, %sub3A_633 : vector<16xf32>
    %add3A_635 = arith.addf %add3A_624, %mul3A_634 : vector<16xf32>
    %add3A_636 = arith.constant 9 : i32
    %add3A_637 = vector.broadcast %add3A_636 : i32 to vector<16xi32>
    %add3A_638 = arith.addi %shift_left3A_533, %add3A_637 : vector<16xi32>
    %gather3A_639 = tpu.vector_load_idx %arg6[%add3A_638] : memref<528xf32, #tpu.memory_space<vmem>>[vector<16xi32>], vector<16xf32>,
    %add3A_640 = arith.constant 9 : i32
    %add3A_641 = vector.broadcast %add3A_640 : i32 to vector<16xi32>
    %add3A_642 = arith.addi %shift_left3A_536, %add3A_641 : vector<16xi32>
    %gather3A_643 = tpu.vector_load_idx %arg6[%add3A_642] : memref<528xf32, #tpu.memory_space<vmem>>[vector<16xi32>], vector<16xf32>,
    %sub3A_644 = arith.subf %gather3A_639, %gather3A_643 : vector<16xf32>
    %mul3A_645 = arith.mulf %sub3A_644, %sub3A_644 : vector<16xf32>
    %add3A_646 = arith.addf %add3A_635, %mul3A_645 : vector<16xf32>
    %bitcast3A_647 = vector.bitcast %add3A_646 : vector<16xf32> to vector<16xi32>
    %broadcast_in_dim3A_648 = arith.constant 1597463007 : i32
    %broadcast_in_dim3A_649 = vector.broadcast %broadcast_in_dim3A_648 : i32 to vector<16xi32>
    %shift_right_logical3A_650 = arith.constant 1 : i32
    %shift_right_logical3A_651 = vector.broadcast %shift_right_logical3A_650 : i32 to vector<16xi32>
    %shift_right_logical3A_652 = arith.shrui %bitcast3A_647, %shift_right_logical3A_651 : vector<16xi32>
    %sub3A_653 = arith.subi %broadcast_in_dim3A_649, %shift_right_logical3A_652 : vector<16xi32>
    %bitcast3A_654 = vector.bitcast %sub3A_653 : vector<16xi32> to vector<16xf32>
    %mul3A_655 = arith.constant 5.000000e-01 : f32
    %mul3A_656 = vector.broadcast %mul3A_655 : f32 to vector<16xf32>
    %mul3A_657 = arith.mulf %add3A_646, %mul3A_656 : vector<16xf32>
    %mul3A_658 = arith.mulf %mul3A_657, %bitcast3A_654 : vector<16xf32>
    %mul3A_659 = arith.mulf %mul3A_658, %bitcast3A_654 : vector<16xf32>
    %sub3A_660 = arith.constant 1.500000e+00 : f32
    %sub3A_661 = vector.broadcast %sub3A_660 : f32 to vector<16xf32>
    %sub3A_662 = arith.subf %sub3A_661, %mul3A_659 : vector<16xf32>
    %mul3A_663 = arith.mulf %bitcast3A_654, %sub3A_662 : vector<16xf32>
    %mul3A_664 = arith.mulf %mul3A_657, %mul3A_663 : vector<16xf32>
    %mul3A_665 = arith.mulf %mul3A_664, %mul3A_663 : vector<16xf32>
    %sub3A_666 = arith.constant 1.500000e+00 : f32
    %sub3A_667 = vector.broadcast %sub3A_666 : f32 to vector<16xf32>
    %sub3A_668 = arith.subf %sub3A_667, %mul3A_665 : vector<16xf32>
    %mul3A_669 = arith.mulf %mul3A_663, %sub3A_668 : vector<16xf32>
    %mul3A_670 = arith.mulf %mul3A_657, %mul3A_669 : vector<16xf32>
    %mul3A_671 = arith.mulf %mul3A_670, %mul3A_669 : vector<16xf32>
    %sub3A_672 = arith.constant 1.500000e+00 : f32
    %sub3A_673 = vector.broadcast %sub3A_672 : f32 to vector<16xf32>
    %sub3A_674 = arith.subf %sub3A_673, %mul3A_671 : vector<16xf32>
    %mul3A_675 = arith.mulf %mul3A_669, %sub3A_674 : vector<16xf32>
    %mul3A_676 = arith.mulf %add3A_646, %mul3A_675 : vector<16xf32>
    %swap3A_677 = arith.constant 32 : index
    %swap3A_678 = tpu.vector_load %arg8[%swap3A_677] {strides = array<i32>} : memref<64xf32, #tpu.memory_space<vmem>>, vector<16xf32>,
    tpu.vector_store %arg8[%swap3A_677], %mul3A_676 {strides = array<i32>} : memref<64xf32, #tpu.memory_space<vmem>>, vector<16xf32>,
    %mul3A_679 = arith.constant 64 : i32
    %mul3A_680 = arith.muli %arg1, %mul3A_679 : i32
    %add3A_681 = vector.broadcast %mul3A_680 : i32 to vector<16xi32>
    %add3A_682 = arith.addi %iota3A, %add3A_681 : vector<16xi32>
    %add3A_683 = arith.constant 48 : i32
    %add3A_684 = vector.broadcast %add3A_683 : i32 to vector<16xi32>
    %add3A_685 = arith.addi %add3A_682, %add3A_684 : vector<16xi32>
    %shift_right_logical3A_686 = arith.constant 5 : i32
    %shift_right_logical3A_687 = vector.broadcast %shift_right_logical3A_686 : i32 to vector<16xi32>
    %shift_right_logical3A_688 = arith.shrui %add3A_685, %shift_right_logical3A_687 : vector<16xi32>
    %and3A_689 = arith.constant 31 : i32
    %and3A_690 = vector.broadcast %and3A_689 : i32 to vector<16xi32>
    %and3A_691 = arith.andi %add3A_685, %and3A_690 : vector<16xi32>
    %broadcast_in_dim3A_692 = arith.constant 9.99999996E-13 : f32
    %broadcast_in_dim3A_693 = vector.broadcast %broadcast_in_dim3A_692 : f32 to vector<16xf32>
    %shift_left3A_694 = arith.constant 4 : i32
    %shift_left3A_695 = vector.broadcast %shift_left3A_694 : i32 to vector<16xi32>
    %shift_left3A_696 = arith.shli %shift_right_logical3A_688, %shift_left3A_695 : vector<16xi32>
    %shift_left3A_697 = arith.constant 4 : i32
    %shift_left3A_698 = vector.broadcast %shift_left3A_697 : i32 to vector<16xi32>
    %shift_left3A_699 = arith.shli %and3A_691, %shift_left3A_698 : vector<16xi32>
    %add3A_700 = arith.constant 0 : i32
    %add3A_701 = vector.broadcast %add3A_700 : i32 to vector<16xi32>
    %add3A_702 = arith.addi %shift_left3A_696, %add3A_701 : vector<16xi32>
    %gather3A_703 = tpu.vector_load_idx %arg6[%add3A_702] : memref<528xf32, #tpu.memory_space<vmem>>[vector<16xi32>], vector<16xf32>,
    %add3A_704 = arith.constant 0 : i32
    %add3A_705 = vector.broadcast %add3A_704 : i32 to vector<16xi32>
    %add3A_706 = arith.addi %shift_left3A_699, %add3A_705 : vector<16xi32>
    %gather3A_707 = tpu.vector_load_idx %arg6[%add3A_706] : memref<528xf32, #tpu.memory_space<vmem>>[vector<16xi32>], vector<16xf32>,
    %sub3A_708 = arith.subf %gather3A_703, %gather3A_707 : vector<16xf32>
    %mul3A_709 = arith.mulf %sub3A_708, %sub3A_708 : vector<16xf32>
    %add3A_710 = arith.addf %broadcast_in_dim3A_693, %mul3A_709 : vector<16xf32>
    %add3A_711 = arith.constant 1 : i32
    %add3A_712 = vector.broadcast %add3A_711 : i32 to vector<16xi32>
    %add3A_713 = arith.addi %shift_left3A_696, %add3A_712 : vector<16xi32>
    %gather3A_714 = tpu.vector_load_idx %arg6[%add3A_713] : memref<528xf32, #tpu.memory_space<vmem>>[vector<16xi32>], vector<16xf32>,
    %add3A_715 = arith.constant 1 : i32
    %add3A_716 = vector.broadcast %add3A_715 : i32 to vector<16xi32>
    %add3A_717 = arith.addi %shift_left3A_699, %add3A_716 : vector<16xi32>
    %gather3A_718 = tpu.vector_load_idx %arg6[%add3A_717] : memref<528xf32, #tpu.memory_space<vmem>>[vector<16xi32>], vector<16xf32>,
    %sub3A_719 = arith.subf %gather3A_714, %gather3A_718 : vector<16xf32>
    %mul3A_720 = arith.mulf %sub3A_719, %sub3A_719 : vector<16xf32>
    %add3A_721 = arith.addf %add3A_710, %mul3A_720 : vector<16xf32>
    %add3A_722 = arith.constant 2 : i32
    %add3A_723 = vector.broadcast %add3A_722 : i32 to vector<16xi32>
    %add3A_724 = arith.addi %shift_left3A_696, %add3A_723 : vector<16xi32>
    %gather3A_725 = tpu.vector_load_idx %arg6[%add3A_724] : memref<528xf32, #tpu.memory_space<vmem>>[vector<16xi32>], vector<16xf32>,
    %add3A_726 = arith.constant 2 : i32
    %add3A_727 = vector.broadcast %add3A_726 : i32 to vector<16xi32>
    %add3A_728 = arith.addi %shift_left3A_699, %add3A_727 : vector<16xi32>
    %gather3A_729 = tpu.vector_load_idx %arg6[%add3A_728] : memref<528xf32, #tpu.memory_space<vmem>>[vector<16xi32>], vector<16xf32>,
    %sub3A_730 = arith.subf %gather3A_725, %gather3A_729 : vector<16xf32>
    %mul3A_731 = arith.mulf %sub3A_730, %sub3A_730 : vector<16xf32>
    %add3A_732 = arith.addf %add3A_721, %mul3A_731 : vector<16xf32>
    %add3A_733 = arith.constant 3 : i32
    %add3A_734 = vector.broadcast %add3A_733 : i32 to vector<16xi32>
    %add3A_735 = arith.addi %shift_left3A_696, %add3A_734 : vector<16xi32>
    %gather3A_736 = tpu.vector_load_idx %arg6[%add3A_735] : memref<528xf32, #tpu.memory_space<vmem>>[vector<16xi32>], vector<16xf32>,
    %add3A_737 = arith.constant 3 : i32
    %add3A_738 = vector.broadcast %add3A_737 : i32 to vector<16xi32>
    %add3A_739 = arith.addi %shift_left3A_699, %add3A_738 : vector<16xi32>
    %gather3A_740 = tpu.vector_load_idx %arg6[%add3A_739] : memref<528xf32, #tpu.memory_space<vmem>>[vector<16xi32>], vector<16xf32>,
    %sub3A_741 = arith.subf %gather3A_736, %gather3A_740 : vector<16xf32>
    %mul3A_742 = arith.mulf %sub3A_741, %sub3A_741 : vector<16xf32>
    %add3A_743 = arith.addf %add3A_732, %mul3A_742 : vector<16xf32>
    %add3A_744 = arith.constant 4 : i32
    %add3A_745 = vector.broadcast %add3A_744 : i32 to vector<16xi32>
    %add3A_746 = arith.addi %shift_left3A_696, %add3A_745 : vector<16xi32>
    %gather3A_747 = tpu.vector_load_idx %arg6[%add3A_746] : memref<528xf32, #tpu.memory_space<vmem>>[vector<16xi32>], vector<16xf32>,
    %add3A_748 = arith.constant 4 : i32
    %add3A_749 = vector.broadcast %add3A_748 : i32 to vector<16xi32>
    %add3A_750 = arith.addi %shift_left3A_699, %add3A_749 : vector<16xi32>
    %gather3A_751 = tpu.vector_load_idx %arg6[%add3A_750] : memref<528xf32, #tpu.memory_space<vmem>>[vector<16xi32>], vector<16xf32>,
    %sub3A_752 = arith.subf %gather3A_747, %gather3A_751 : vector<16xf32>
    %mul3A_753 = arith.mulf %sub3A_752, %sub3A_752 : vector<16xf32>
    %add3A_754 = arith.addf %add3A_743, %mul3A_753 : vector<16xf32>
    %add3A_755 = arith.constant 5 : i32
    %add3A_756 = vector.broadcast %add3A_755 : i32 to vector<16xi32>
    %add3A_757 = arith.addi %shift_left3A_696, %add3A_756 : vector<16xi32>
    %gather3A_758 = tpu.vector_load_idx %arg6[%add3A_757] : memref<528xf32, #tpu.memory_space<vmem>>[vector<16xi32>], vector<16xf32>,
    %add3A_759 = arith.constant 5 : i32
    %add3A_760 = vector.broadcast %add3A_759 : i32 to vector<16xi32>
    %add3A_761 = arith.addi %shift_left3A_699, %add3A_760 : vector<16xi32>
    %gather3A_762 = tpu.vector_load_idx %arg6[%add3A_761] : memref<528xf32, #tpu.memory_space<vmem>>[vector<16xi32>], vector<16xf32>,
    %sub3A_763 = arith.subf %gather3A_758, %gather3A_762 : vector<16xf32>
    %mul3A_764 = arith.mulf %sub3A_763, %sub3A_763 : vector<16xf32>
    %add3A_765 = arith.addf %add3A_754, %mul3A_764 : vector<16xf32>
    %add3A_766 = arith.constant 6 : i32
    %add3A_767 = vector.broadcast %add3A_766 : i32 to vector<16xi32>
    %add3A_768 = arith.addi %shift_left3A_696, %add3A_767 : vector<16xi32>
    %gather3A_769 = tpu.vector_load_idx %arg6[%add3A_768] : memref<528xf32, #tpu.memory_space<vmem>>[vector<16xi32>], vector<16xf32>,
    %add3A_770 = arith.constant 6 : i32
    %add3A_771 = vector.broadcast %add3A_770 : i32 to vector<16xi32>
    %add3A_772 = arith.addi %shift_left3A_699, %add3A_771 : vector<16xi32>
    %gather3A_773 = tpu.vector_load_idx %arg6[%add3A_772] : memref<528xf32, #tpu.memory_space<vmem>>[vector<16xi32>], vector<16xf32>,
    %sub3A_774 = arith.subf %gather3A_769, %gather3A_773 : vector<16xf32>
    %mul3A_775 = arith.mulf %sub3A_774, %sub3A_774 : vector<16xf32>
    %add3A_776 = arith.addf %add3A_765, %mul3A_775 : vector<16xf32>
    %add3A_777 = arith.constant 7 : i32
    %add3A_778 = vector.broadcast %add3A_777 : i32 to vector<16xi32>
    %add3A_779 = arith.addi %shift_left3A_696, %add3A_778 : vector<16xi32>
    %gather3A_780 = tpu.vector_load_idx %arg6[%add3A_779] : memref<528xf32, #tpu.memory_space<vmem>>[vector<16xi32>], vector<16xf32>,
    %add3A_781 = arith.constant 7 : i32
    %add3A_782 = vector.broadcast %add3A_781 : i32 to vector<16xi32>
    %add3A_783 = arith.addi %shift_left3A_699, %add3A_782 : vector<16xi32>
    %gather3A_784 = tpu.vector_load_idx %arg6[%add3A_783] : memref<528xf32, #tpu.memory_space<vmem>>[vector<16xi32>], vector<16xf32>,
    %sub3A_785 = arith.subf %gather3A_780, %gather3A_784 : vector<16xf32>
    %mul3A_786 = arith.mulf %sub3A_785, %sub3A_785 : vector<16xf32>
    %add3A_787 = arith.addf %add3A_776, %mul3A_786 : vector<16xf32>
    %add3A_788 = arith.constant 8 : i32
    %add3A_789 = vector.broadcast %add3A_788 : i32 to vector<16xi32>
    %add3A_790 = arith.addi %shift_left3A_696, %add3A_789 : vector<16xi32>
    %gather3A_791 = tpu.vector_load_idx %arg6[%add3A_790] : memref<528xf32, #tpu.memory_space<vmem>>[vector<16xi32>], vector<16xf32>,
    %add3A_792 = arith.constant 8 : i32
    %add3A_793 = vector.broadcast %add3A_792 : i32 to vector<16xi32>
    %add3A_794 = arith.addi %shift_left3A_699, %add3A_793 : vector<16xi32>
    %gather3A_795 = tpu.vector_load_idx %arg6[%add3A_794] : memref<528xf32, #tpu.memory_space<vmem>>[vector<16xi32>], vector<16xf32>,
    %sub3A_796 = arith.subf %gather3A_791, %gather3A_795 : vector<16xf32>
    %mul3A_797 = arith.mulf %sub3A_796, %sub3A_796 : vector<16xf32>
    %add3A_798 = arith.addf %add3A_787, %mul3A_797 : vector<16xf32>
    %add3A_799 = arith.constant 9 : i32
    %add3A_800 = vector.broadcast %add3A_799 : i32 to vector<16xi32>
    %add3A_801 = arith.addi %shift_left3A_696, %add3A_800 : vector<16xi32>
    %gather3A_802 = tpu.vector_load_idx %arg6[%add3A_801] : memref<528xf32, #tpu.memory_space<vmem>>[vector<16xi32>], vector<16xf32>,
    %add3A_803 = arith.constant 9 : i32
    %add3A_804 = vector.broadcast %add3A_803 : i32 to vector<16xi32>
    %add3A_805 = arith.addi %shift_left3A_699, %add3A_804 : vector<16xi32>
    %gather3A_806 = tpu.vector_load_idx %arg6[%add3A_805] : memref<528xf32, #tpu.memory_space<vmem>>[vector<16xi32>], vector<16xf32>,
    %sub3A_807 = arith.subf %gather3A_802, %gather3A_806 : vector<16xf32>
    %mul3A_808 = arith.mulf %sub3A_807, %sub3A_807 : vector<16xf32>
    %add3A_809 = arith.addf %add3A_798, %mul3A_808 : vector<16xf32>
    %bitcast3A_810 = vector.bitcast %add3A_809 : vector<16xf32> to vector<16xi32>
    %broadcast_in_dim3A_811 = arith.constant 1597463007 : i32
    %broadcast_in_dim3A_812 = vector.broadcast %broadcast_in_dim3A_811 : i32 to vector<16xi32>
    %shift_right_logical3A_813 = arith.constant 1 : i32
    %shift_right_logical3A_814 = vector.broadcast %shift_right_logical3A_813 : i32 to vector<16xi32>
    %shift_right_logical3A_815 = arith.shrui %bitcast3A_810, %shift_right_logical3A_814 : vector<16xi32>
    %sub3A_816 = arith.subi %broadcast_in_dim3A_812, %shift_right_logical3A_815 : vector<16xi32>
    %bitcast3A_817 = vector.bitcast %sub3A_816 : vector<16xi32> to vector<16xf32>
    %mul3A_818 = arith.constant 5.000000e-01 : f32
    %mul3A_819 = vector.broadcast %mul3A_818 : f32 to vector<16xf32>
    %mul3A_820 = arith.mulf %add3A_809, %mul3A_819 : vector<16xf32>
    %mul3A_821 = arith.mulf %mul3A_820, %bitcast3A_817 : vector<16xf32>
    %mul3A_822 = arith.mulf %mul3A_821, %bitcast3A_817 : vector<16xf32>
    %sub3A_823 = arith.constant 1.500000e+00 : f32
    %sub3A_824 = vector.broadcast %sub3A_823 : f32 to vector<16xf32>
    %sub3A_825 = arith.subf %sub3A_824, %mul3A_822 : vector<16xf32>
    %mul3A_826 = arith.mulf %bitcast3A_817, %sub3A_825 : vector<16xf32>
    %mul3A_827 = arith.mulf %mul3A_820, %mul3A_826 : vector<16xf32>
    %mul3A_828 = arith.mulf %mul3A_827, %mul3A_826 : vector<16xf32>
    %sub3A_829 = arith.constant 1.500000e+00 : f32
    %sub3A_830 = vector.broadcast %sub3A_829 : f32 to vector<16xf32>
    %sub3A_831 = arith.subf %sub3A_830, %mul3A_828 : vector<16xf32>
    %mul3A_832 = arith.mulf %mul3A_826, %sub3A_831 : vector<16xf32>
    %mul3A_833 = arith.mulf %mul3A_820, %mul3A_832 : vector<16xf32>
    %mul3A_834 = arith.mulf %mul3A_833, %mul3A_832 : vector<16xf32>
    %sub3A_835 = arith.constant 1.500000e+00 : f32
    %sub3A_836 = vector.broadcast %sub3A_835 : f32 to vector<16xf32>
    %sub3A_837 = arith.subf %sub3A_836, %mul3A_834 : vector<16xf32>
    %mul3A_838 = arith.mulf %mul3A_832, %sub3A_837 : vector<16xf32>
    %mul3A_839 = arith.mulf %add3A_809, %mul3A_838 : vector<16xf32>
    %swap3A_840 = arith.constant 48 : index
    %swap3A_841 = tpu.vector_load %arg8[%swap3A_840] {strides = array<i32>} : memref<64xf32, #tpu.memory_space<vmem>>, vector<16xf32>,
    tpu.vector_store %arg8[%swap3A_840], %mul3A_839 {strides = array<i32>} : memref<64xf32, #tpu.memory_space<vmem>>, vector<16xf32>,
    %mul3A_842 = arith.constant 64 : i32
    %mul3A_843 = arith.muli %arg1, %mul3A_842 : i32
    "tpu.region"() ({
      %run_scoped3A = tpu.sem_alloc : memref<!tpu.dma_semaphore, #tpu.memory_space<semaphore_mem>>
      %dma_start3A_1167 = tpu.memref_slice %arg10[%mul3A_843] : memref<1024xf32, #tpu.memory_space<vmem_shared>> -> memref<64xf32, #tpu.memory_space<vmem_shared>>
      %dma_start3A_1168 = tpu.memref_slice %arg10[%mul3A_843] : memref<1024xf32, #tpu.memory_space<vmem_shared>> -> memref<64xf32, #tpu.memory_space<vmem_shared>>
      tpu.enqueue_dma source(%arg8 : memref<64xf32, #tpu.memory_space<vmem>>) target(%dma_start3A_1168 : memref<64xf32, #tpu.memory_space<vmem_shared>>) target_semaphore(%run_scoped3A : memref<!tpu.dma_semaphore, #tpu.memory_space<semaphore_mem>>)
      %dma_wait3A_1169 = tpu.memref_slice %arg10[%mul3A_843] : memref<1024xf32, #tpu.memory_space<vmem_shared>> -> memref<64xf32, #tpu.memory_space<vmem_shared>>
      %dma_wait3A_1170 = tpu.memref_slice %arg10[%mul3A_843] : memref<1024xf32, #tpu.memory_space<vmem_shared>> -> memref<64xf32, #tpu.memory_space<vmem_shared>>
      tpu.wait_dma2 semaphore(%run_scoped3A : memref<!tpu.dma_semaphore, #tpu.memory_space<semaphore_mem>>) src(%arg8 : memref<64xf32, #tpu.memory_space<vmem>>) dst(%dma_wait3A_1170 : memref<64xf32, #tpu.memory_space<vmem_shared>>)
      tpu.yield
    }) : () -> ()
    %barrier3A = arith.constant 0 : index
    tpu.barrier barrier_id(%barrier3A)
    "tpu.region"() ({
      %run_scoped3A = tpu.sem_alloc : memref<!tpu.dma_semaphore, #tpu.memory_space<semaphore_mem>>
      tpu.enqueue_dma source(%arg10 : memref<1024xf32, #tpu.memory_space<vmem_shared>>) target(%arg7 : memref<1024xf32, #tpu.memory_space<vmem>>) target_semaphore(%run_scoped3A : memref<!tpu.dma_semaphore, #tpu.memory_space<semaphore_mem>>)
      tpu.wait_dma2 semaphore(%run_scoped3A : memref<!tpu.dma_semaphore, #tpu.memory_space<semaphore_mem>>) src(%arg10 : memref<1024xf32, #tpu.memory_space<vmem_shared>>) dst(%arg7 : memref<1024xf32, #tpu.memory_space<vmem>>)
      tpu.yield
    }) : () -> ()
    %dma_wait3A = tpu.memref_slice %arg2[%mul3A_2] : memref<16384xi32, #tpu.memory_space<hbm>> -> memref<1024xi32, #tpu.memory_space<hbm>>
    %dma_wait3A_844 = tpu.memref_slice %arg2[%mul3A_2] : memref<16384xi32, #tpu.memory_space<hbm>> -> memref<1024xi32, #tpu.memory_space<hbm>>
    tpu.wait_dma2 semaphore(%arg11 : memref<!tpu.dma_semaphore, #tpu.memory_space<semaphore_mem>>) src(%dma_wait3A_844 : memref<1024xi32, #tpu.memory_space<hbm>>) dst(%arg5 : memref<1024xi32, #tpu.memory_space<vmem>>)
    %get3A_845 = arith.constant 0 : index
    %get3A_846 = tpu.vector_load %arg5[%get3A_845] {strides = array<i32>} : memref<1024xi32, #tpu.memory_space<vmem>>, vector<16xi32>,
    %gather3A_847 = tpu.vector_load_idx %arg7[%get3A_846] : memref<1024xf32, #tpu.memory_space<vmem>>[vector<16xi32>], vector<16xf32>,
    %swap3A_848 = arith.constant 0 : index
    %swap3A_849 = tpu.vector_load %arg9[%swap3A_848] {strides = array<i32>} : memref<1024xf32, #tpu.memory_space<vmem>>, vector<16xf32>,
    tpu.vector_store %arg9[%swap3A_848], %gather3A_847 {strides = array<i32>} : memref<1024xf32, #tpu.memory_space<vmem>>, vector<16xf32>,
    %get3A_850 = arith.constant 16 : index
    %get3A_851 = tpu.vector_load %arg5[%get3A_850] {strides = array<i32>} : memref<1024xi32, #tpu.memory_space<vmem>>, vector<16xi32>,
    %gather3A_852 = tpu.vector_load_idx %arg7[%get3A_851] : memref<1024xf32, #tpu.memory_space<vmem>>[vector<16xi32>], vector<16xf32>,
    %swap3A_853 = arith.constant 16 : index
    %swap3A_854 = tpu.vector_load %arg9[%swap3A_853] {strides = array<i32>} : memref<1024xf32, #tpu.memory_space<vmem>>, vector<16xf32>,
    tpu.vector_store %arg9[%swap3A_853], %gather3A_852 {strides = array<i32>} : memref<1024xf32, #tpu.memory_space<vmem>>, vector<16xf32>,
    %get3A_855 = arith.constant 32 : index
    %get3A_856 = tpu.vector_load %arg5[%get3A_855] {strides = array<i32>} : memref<1024xi32, #tpu.memory_space<vmem>>, vector<16xi32>,
    %gather3A_857 = tpu.vector_load_idx %arg7[%get3A_856] : memref<1024xf32, #tpu.memory_space<vmem>>[vector<16xi32>], vector<16xf32>,
    %swap3A_858 = arith.constant 32 : index
    %swap3A_859 = tpu.vector_load %arg9[%swap3A_858] {strides = array<i32>} : memref<1024xf32, #tpu.memory_space<vmem>>, vector<16xf32>,
    tpu.vector_store %arg9[%swap3A_858], %gather3A_857 {strides = array<i32>} : memref<1024xf32, #tpu.memory_space<vmem>>, vector<16xf32>,
    %get3A_860 = arith.constant 48 : index
    %get3A_861 = tpu.vector_load %arg5[%get3A_860] {strides = array<i32>} : memref<1024xi32, #tpu.memory_space<vmem>>, vector<16xi32>,
    %gather3A_862 = tpu.vector_load_idx %arg7[%get3A_861] : memref<1024xf32, #tpu.memory_space<vmem>>[vector<16xi32>], vector<16xf32>,
    %swap3A_863 = arith.constant 48 : index
    %swap3A_864 = tpu.vector_load %arg9[%swap3A_863] {strides = array<i32>} : memref<1024xf32, #tpu.memory_space<vmem>>, vector<16xf32>,
    tpu.vector_store %arg9[%swap3A_863], %gather3A_862 {strides = array<i32>} : memref<1024xf32, #tpu.memory_space<vmem>>, vector<16xf32>,
    %get3A_865 = arith.constant 64 : index
    %get3A_866 = tpu.vector_load %arg5[%get3A_865] {strides = array<i32>} : memref<1024xi32, #tpu.memory_space<vmem>>, vector<16xi32>,
    %gather3A_867 = tpu.vector_load_idx %arg7[%get3A_866] : memref<1024xf32, #tpu.memory_space<vmem>>[vector<16xi32>], vector<16xf32>,
    %swap3A_868 = arith.constant 64 : index
    %swap3A_869 = tpu.vector_load %arg9[%swap3A_868] {strides = array<i32>} : memref<1024xf32, #tpu.memory_space<vmem>>, vector<16xf32>,
    tpu.vector_store %arg9[%swap3A_868], %gather3A_867 {strides = array<i32>} : memref<1024xf32, #tpu.memory_space<vmem>>, vector<16xf32>,
    %get3A_870 = arith.constant 80 : index
    %get3A_871 = tpu.vector_load %arg5[%get3A_870] {strides = array<i32>} : memref<1024xi32, #tpu.memory_space<vmem>>, vector<16xi32>,
    %gather3A_872 = tpu.vector_load_idx %arg7[%get3A_871] : memref<1024xf32, #tpu.memory_space<vmem>>[vector<16xi32>], vector<16xf32>,
    %swap3A_873 = arith.constant 80 : index
    %swap3A_874 = tpu.vector_load %arg9[%swap3A_873] {strides = array<i32>} : memref<1024xf32, #tpu.memory_space<vmem>>, vector<16xf32>,
    tpu.vector_store %arg9[%swap3A_873], %gather3A_872 {strides = array<i32>} : memref<1024xf32, #tpu.memory_space<vmem>>, vector<16xf32>,
    %get3A_875 = arith.constant 96 : index
    %get3A_876 = tpu.vector_load %arg5[%get3A_875] {strides = array<i32>} : memref<1024xi32, #tpu.memory_space<vmem>>, vector<16xi32>,
    %gather3A_877 = tpu.vector_load_idx %arg7[%get3A_876] : memref<1024xf32, #tpu.memory_space<vmem>>[vector<16xi32>], vector<16xf32>,
    %swap3A_878 = arith.constant 96 : index
    %swap3A_879 = tpu.vector_load %arg9[%swap3A_878] {strides = array<i32>} : memref<1024xf32, #tpu.memory_space<vmem>>, vector<16xf32>,
    tpu.vector_store %arg9[%swap3A_878], %gather3A_877 {strides = array<i32>} : memref<1024xf32, #tpu.memory_space<vmem>>, vector<16xf32>,
    %get3A_880 = arith.constant 112 : index
    %get3A_881 = tpu.vector_load %arg5[%get3A_880] {strides = array<i32>} : memref<1024xi32, #tpu.memory_space<vmem>>, vector<16xi32>,
    %gather3A_882 = tpu.vector_load_idx %arg7[%get3A_881] : memref<1024xf32, #tpu.memory_space<vmem>>[vector<16xi32>], vector<16xf32>,
    %swap3A_883 = arith.constant 112 : index
    %swap3A_884 = tpu.vector_load %arg9[%swap3A_883] {strides = array<i32>} : memref<1024xf32, #tpu.memory_space<vmem>>, vector<16xf32>,
    tpu.vector_store %arg9[%swap3A_883], %gather3A_882 {strides = array<i32>} : memref<1024xf32, #tpu.memory_space<vmem>>, vector<16xf32>,
    %get3A_885 = arith.constant 128 : index
    %get3A_886 = tpu.vector_load %arg5[%get3A_885] {strides = array<i32>} : memref<1024xi32, #tpu.memory_space<vmem>>, vector<16xi32>,
    %gather3A_887 = tpu.vector_load_idx %arg7[%get3A_886] : memref<1024xf32, #tpu.memory_space<vmem>>[vector<16xi32>], vector<16xf32>,
    %swap3A_888 = arith.constant 128 : index
    %swap3A_889 = tpu.vector_load %arg9[%swap3A_888] {strides = array<i32>} : memref<1024xf32, #tpu.memory_space<vmem>>, vector<16xf32>,
    tpu.vector_store %arg9[%swap3A_888], %gather3A_887 {strides = array<i32>} : memref<1024xf32, #tpu.memory_space<vmem>>, vector<16xf32>,
    %get3A_890 = arith.constant 144 : index
    %get3A_891 = tpu.vector_load %arg5[%get3A_890] {strides = array<i32>} : memref<1024xi32, #tpu.memory_space<vmem>>, vector<16xi32>,
    %gather3A_892 = tpu.vector_load_idx %arg7[%get3A_891] : memref<1024xf32, #tpu.memory_space<vmem>>[vector<16xi32>], vector<16xf32>,
    %swap3A_893 = arith.constant 144 : index
    %swap3A_894 = tpu.vector_load %arg9[%swap3A_893] {strides = array<i32>} : memref<1024xf32, #tpu.memory_space<vmem>>, vector<16xf32>,
    tpu.vector_store %arg9[%swap3A_893], %gather3A_892 {strides = array<i32>} : memref<1024xf32, #tpu.memory_space<vmem>>, vector<16xf32>,
    %get3A_895 = arith.constant 160 : index
    %get3A_896 = tpu.vector_load %arg5[%get3A_895] {strides = array<i32>} : memref<1024xi32, #tpu.memory_space<vmem>>, vector<16xi32>,
    %gather3A_897 = tpu.vector_load_idx %arg7[%get3A_896] : memref<1024xf32, #tpu.memory_space<vmem>>[vector<16xi32>], vector<16xf32>,
    %swap3A_898 = arith.constant 160 : index
    %swap3A_899 = tpu.vector_load %arg9[%swap3A_898] {strides = array<i32>} : memref<1024xf32, #tpu.memory_space<vmem>>, vector<16xf32>,
    tpu.vector_store %arg9[%swap3A_898], %gather3A_897 {strides = array<i32>} : memref<1024xf32, #tpu.memory_space<vmem>>, vector<16xf32>,
    %get3A_900 = arith.constant 176 : index
    %get3A_901 = tpu.vector_load %arg5[%get3A_900] {strides = array<i32>} : memref<1024xi32, #tpu.memory_space<vmem>>, vector<16xi32>,
    %gather3A_902 = tpu.vector_load_idx %arg7[%get3A_901] : memref<1024xf32, #tpu.memory_space<vmem>>[vector<16xi32>], vector<16xf32>,
    %swap3A_903 = arith.constant 176 : index
    %swap3A_904 = tpu.vector_load %arg9[%swap3A_903] {strides = array<i32>} : memref<1024xf32, #tpu.memory_space<vmem>>, vector<16xf32>,
    tpu.vector_store %arg9[%swap3A_903], %gather3A_902 {strides = array<i32>} : memref<1024xf32, #tpu.memory_space<vmem>>, vector<16xf32>,
    %get3A_905 = arith.constant 192 : index
    %get3A_906 = tpu.vector_load %arg5[%get3A_905] {strides = array<i32>} : memref<1024xi32, #tpu.memory_space<vmem>>, vector<16xi32>,
    %gather3A_907 = tpu.vector_load_idx %arg7[%get3A_906] : memref<1024xf32, #tpu.memory_space<vmem>>[vector<16xi32>], vector<16xf32>,
    %swap3A_908 = arith.constant 192 : index
    %swap3A_909 = tpu.vector_load %arg9[%swap3A_908] {strides = array<i32>} : memref<1024xf32, #tpu.memory_space<vmem>>, vector<16xf32>,
    tpu.vector_store %arg9[%swap3A_908], %gather3A_907 {strides = array<i32>} : memref<1024xf32, #tpu.memory_space<vmem>>, vector<16xf32>,
    %get3A_910 = arith.constant 208 : index
    %get3A_911 = tpu.vector_load %arg5[%get3A_910] {strides = array<i32>} : memref<1024xi32, #tpu.memory_space<vmem>>, vector<16xi32>,
    %gather3A_912 = tpu.vector_load_idx %arg7[%get3A_911] : memref<1024xf32, #tpu.memory_space<vmem>>[vector<16xi32>], vector<16xf32>,
    %swap3A_913 = arith.constant 208 : index
    %swap3A_914 = tpu.vector_load %arg9[%swap3A_913] {strides = array<i32>} : memref<1024xf32, #tpu.memory_space<vmem>>, vector<16xf32>,
    tpu.vector_store %arg9[%swap3A_913], %gather3A_912 {strides = array<i32>} : memref<1024xf32, #tpu.memory_space<vmem>>, vector<16xf32>,
    %get3A_915 = arith.constant 224 : index
    %get3A_916 = tpu.vector_load %arg5[%get3A_915] {strides = array<i32>} : memref<1024xi32, #tpu.memory_space<vmem>>, vector<16xi32>,
    %gather3A_917 = tpu.vector_load_idx %arg7[%get3A_916] : memref<1024xf32, #tpu.memory_space<vmem>>[vector<16xi32>], vector<16xf32>,
    %swap3A_918 = arith.constant 224 : index
    %swap3A_919 = tpu.vector_load %arg9[%swap3A_918] {strides = array<i32>} : memref<1024xf32, #tpu.memory_space<vmem>>, vector<16xf32>,
    tpu.vector_store %arg9[%swap3A_918], %gather3A_917 {strides = array<i32>} : memref<1024xf32, #tpu.memory_space<vmem>>, vector<16xf32>,
    %get3A_920 = arith.constant 240 : index
    %get3A_921 = tpu.vector_load %arg5[%get3A_920] {strides = array<i32>} : memref<1024xi32, #tpu.memory_space<vmem>>, vector<16xi32>,
    %gather3A_922 = tpu.vector_load_idx %arg7[%get3A_921] : memref<1024xf32, #tpu.memory_space<vmem>>[vector<16xi32>], vector<16xf32>,
    %swap3A_923 = arith.constant 240 : index
    %swap3A_924 = tpu.vector_load %arg9[%swap3A_923] {strides = array<i32>} : memref<1024xf32, #tpu.memory_space<vmem>>, vector<16xf32>,
    tpu.vector_store %arg9[%swap3A_923], %gather3A_922 {strides = array<i32>} : memref<1024xf32, #tpu.memory_space<vmem>>, vector<16xf32>,
    %get3A_925 = arith.constant 256 : index
    %get3A_926 = tpu.vector_load %arg5[%get3A_925] {strides = array<i32>} : memref<1024xi32, #tpu.memory_space<vmem>>, vector<16xi32>,
    %gather3A_927 = tpu.vector_load_idx %arg7[%get3A_926] : memref<1024xf32, #tpu.memory_space<vmem>>[vector<16xi32>], vector<16xf32>,
    %swap3A_928 = arith.constant 256 : index
    %swap3A_929 = tpu.vector_load %arg9[%swap3A_928] {strides = array<i32>} : memref<1024xf32, #tpu.memory_space<vmem>>, vector<16xf32>,
    tpu.vector_store %arg9[%swap3A_928], %gather3A_927 {strides = array<i32>} : memref<1024xf32, #tpu.memory_space<vmem>>, vector<16xf32>,
    %get3A_930 = arith.constant 272 : index
    %get3A_931 = tpu.vector_load %arg5[%get3A_930] {strides = array<i32>} : memref<1024xi32, #tpu.memory_space<vmem>>, vector<16xi32>,
    %gather3A_932 = tpu.vector_load_idx %arg7[%get3A_931] : memref<1024xf32, #tpu.memory_space<vmem>>[vector<16xi32>], vector<16xf32>,
    %swap3A_933 = arith.constant 272 : index
    %swap3A_934 = tpu.vector_load %arg9[%swap3A_933] {strides = array<i32>} : memref<1024xf32, #tpu.memory_space<vmem>>, vector<16xf32>,
    tpu.vector_store %arg9[%swap3A_933], %gather3A_932 {strides = array<i32>} : memref<1024xf32, #tpu.memory_space<vmem>>, vector<16xf32>,
    %get3A_935 = arith.constant 288 : index
    %get3A_936 = tpu.vector_load %arg5[%get3A_935] {strides = array<i32>} : memref<1024xi32, #tpu.memory_space<vmem>>, vector<16xi32>,
    %gather3A_937 = tpu.vector_load_idx %arg7[%get3A_936] : memref<1024xf32, #tpu.memory_space<vmem>>[vector<16xi32>], vector<16xf32>,
    %swap3A_938 = arith.constant 288 : index
    %swap3A_939 = tpu.vector_load %arg9[%swap3A_938] {strides = array<i32>} : memref<1024xf32, #tpu.memory_space<vmem>>, vector<16xf32>,
    tpu.vector_store %arg9[%swap3A_938], %gather3A_937 {strides = array<i32>} : memref<1024xf32, #tpu.memory_space<vmem>>, vector<16xf32>,
    %get3A_940 = arith.constant 304 : index
    %get3A_941 = tpu.vector_load %arg5[%get3A_940] {strides = array<i32>} : memref<1024xi32, #tpu.memory_space<vmem>>, vector<16xi32>,
    %gather3A_942 = tpu.vector_load_idx %arg7[%get3A_941] : memref<1024xf32, #tpu.memory_space<vmem>>[vector<16xi32>], vector<16xf32>,
    %swap3A_943 = arith.constant 304 : index
    %swap3A_944 = tpu.vector_load %arg9[%swap3A_943] {strides = array<i32>} : memref<1024xf32, #tpu.memory_space<vmem>>, vector<16xf32>,
    tpu.vector_store %arg9[%swap3A_943], %gather3A_942 {strides = array<i32>} : memref<1024xf32, #tpu.memory_space<vmem>>, vector<16xf32>,
    %get3A_945 = arith.constant 320 : index
    %get3A_946 = tpu.vector_load %arg5[%get3A_945] {strides = array<i32>} : memref<1024xi32, #tpu.memory_space<vmem>>, vector<16xi32>,
    %gather3A_947 = tpu.vector_load_idx %arg7[%get3A_946] : memref<1024xf32, #tpu.memory_space<vmem>>[vector<16xi32>], vector<16xf32>,
    %swap3A_948 = arith.constant 320 : index
    %swap3A_949 = tpu.vector_load %arg9[%swap3A_948] {strides = array<i32>} : memref<1024xf32, #tpu.memory_space<vmem>>, vector<16xf32>,
    tpu.vector_store %arg9[%swap3A_948], %gather3A_947 {strides = array<i32>} : memref<1024xf32, #tpu.memory_space<vmem>>, vector<16xf32>,
    %get3A_950 = arith.constant 336 : index
    %get3A_951 = tpu.vector_load %arg5[%get3A_950] {strides = array<i32>} : memref<1024xi32, #tpu.memory_space<vmem>>, vector<16xi32>,
    %gather3A_952 = tpu.vector_load_idx %arg7[%get3A_951] : memref<1024xf32, #tpu.memory_space<vmem>>[vector<16xi32>], vector<16xf32>,
    %swap3A_953 = arith.constant 336 : index
    %swap3A_954 = tpu.vector_load %arg9[%swap3A_953] {strides = array<i32>} : memref<1024xf32, #tpu.memory_space<vmem>>, vector<16xf32>,
    tpu.vector_store %arg9[%swap3A_953], %gather3A_952 {strides = array<i32>} : memref<1024xf32, #tpu.memory_space<vmem>>, vector<16xf32>,
    %get3A_955 = arith.constant 352 : index
    %get3A_956 = tpu.vector_load %arg5[%get3A_955] {strides = array<i32>} : memref<1024xi32, #tpu.memory_space<vmem>>, vector<16xi32>,
    %gather3A_957 = tpu.vector_load_idx %arg7[%get3A_956] : memref<1024xf32, #tpu.memory_space<vmem>>[vector<16xi32>], vector<16xf32>,
    %swap3A_958 = arith.constant 352 : index
    %swap3A_959 = tpu.vector_load %arg9[%swap3A_958] {strides = array<i32>} : memref<1024xf32, #tpu.memory_space<vmem>>, vector<16xf32>,
    tpu.vector_store %arg9[%swap3A_958], %gather3A_957 {strides = array<i32>} : memref<1024xf32, #tpu.memory_space<vmem>>, vector<16xf32>,
    %get3A_960 = arith.constant 368 : index
    %get3A_961 = tpu.vector_load %arg5[%get3A_960] {strides = array<i32>} : memref<1024xi32, #tpu.memory_space<vmem>>, vector<16xi32>,
    %gather3A_962 = tpu.vector_load_idx %arg7[%get3A_961] : memref<1024xf32, #tpu.memory_space<vmem>>[vector<16xi32>], vector<16xf32>,
    %swap3A_963 = arith.constant 368 : index
    %swap3A_964 = tpu.vector_load %arg9[%swap3A_963] {strides = array<i32>} : memref<1024xf32, #tpu.memory_space<vmem>>, vector<16xf32>,
    tpu.vector_store %arg9[%swap3A_963], %gather3A_962 {strides = array<i32>} : memref<1024xf32, #tpu.memory_space<vmem>>, vector<16xf32>,
    %get3A_965 = arith.constant 384 : index
    %get3A_966 = tpu.vector_load %arg5[%get3A_965] {strides = array<i32>} : memref<1024xi32, #tpu.memory_space<vmem>>, vector<16xi32>,
    %gather3A_967 = tpu.vector_load_idx %arg7[%get3A_966] : memref<1024xf32, #tpu.memory_space<vmem>>[vector<16xi32>], vector<16xf32>,
    %swap3A_968 = arith.constant 384 : index
    %swap3A_969 = tpu.vector_load %arg9[%swap3A_968] {strides = array<i32>} : memref<1024xf32, #tpu.memory_space<vmem>>, vector<16xf32>,
    tpu.vector_store %arg9[%swap3A_968], %gather3A_967 {strides = array<i32>} : memref<1024xf32, #tpu.memory_space<vmem>>, vector<16xf32>,
    %get3A_970 = arith.constant 400 : index
    %get3A_971 = tpu.vector_load %arg5[%get3A_970] {strides = array<i32>} : memref<1024xi32, #tpu.memory_space<vmem>>, vector<16xi32>,
    %gather3A_972 = tpu.vector_load_idx %arg7[%get3A_971] : memref<1024xf32, #tpu.memory_space<vmem>>[vector<16xi32>], vector<16xf32>,
    %swap3A_973 = arith.constant 400 : index
    %swap3A_974 = tpu.vector_load %arg9[%swap3A_973] {strides = array<i32>} : memref<1024xf32, #tpu.memory_space<vmem>>, vector<16xf32>,
    tpu.vector_store %arg9[%swap3A_973], %gather3A_972 {strides = array<i32>} : memref<1024xf32, #tpu.memory_space<vmem>>, vector<16xf32>,
    %get3A_975 = arith.constant 416 : index
    %get3A_976 = tpu.vector_load %arg5[%get3A_975] {strides = array<i32>} : memref<1024xi32, #tpu.memory_space<vmem>>, vector<16xi32>,
    %gather3A_977 = tpu.vector_load_idx %arg7[%get3A_976] : memref<1024xf32, #tpu.memory_space<vmem>>[vector<16xi32>], vector<16xf32>,
    %swap3A_978 = arith.constant 416 : index
    %swap3A_979 = tpu.vector_load %arg9[%swap3A_978] {strides = array<i32>} : memref<1024xf32, #tpu.memory_space<vmem>>, vector<16xf32>,
    tpu.vector_store %arg9[%swap3A_978], %gather3A_977 {strides = array<i32>} : memref<1024xf32, #tpu.memory_space<vmem>>, vector<16xf32>,
    %get3A_980 = arith.constant 432 : index
    %get3A_981 = tpu.vector_load %arg5[%get3A_980] {strides = array<i32>} : memref<1024xi32, #tpu.memory_space<vmem>>, vector<16xi32>,
    %gather3A_982 = tpu.vector_load_idx %arg7[%get3A_981] : memref<1024xf32, #tpu.memory_space<vmem>>[vector<16xi32>], vector<16xf32>,
    %swap3A_983 = arith.constant 432 : index
    %swap3A_984 = tpu.vector_load %arg9[%swap3A_983] {strides = array<i32>} : memref<1024xf32, #tpu.memory_space<vmem>>, vector<16xf32>,
    tpu.vector_store %arg9[%swap3A_983], %gather3A_982 {strides = array<i32>} : memref<1024xf32, #tpu.memory_space<vmem>>, vector<16xf32>,
    %get3A_985 = arith.constant 448 : index
    %get3A_986 = tpu.vector_load %arg5[%get3A_985] {strides = array<i32>} : memref<1024xi32, #tpu.memory_space<vmem>>, vector<16xi32>,
    %gather3A_987 = tpu.vector_load_idx %arg7[%get3A_986] : memref<1024xf32, #tpu.memory_space<vmem>>[vector<16xi32>], vector<16xf32>,
    %swap3A_988 = arith.constant 448 : index
    %swap3A_989 = tpu.vector_load %arg9[%swap3A_988] {strides = array<i32>} : memref<1024xf32, #tpu.memory_space<vmem>>, vector<16xf32>,
    tpu.vector_store %arg9[%swap3A_988], %gather3A_987 {strides = array<i32>} : memref<1024xf32, #tpu.memory_space<vmem>>, vector<16xf32>,
    %get3A_990 = arith.constant 464 : index
    %get3A_991 = tpu.vector_load %arg5[%get3A_990] {strides = array<i32>} : memref<1024xi32, #tpu.memory_space<vmem>>, vector<16xi32>,
    %gather3A_992 = tpu.vector_load_idx %arg7[%get3A_991] : memref<1024xf32, #tpu.memory_space<vmem>>[vector<16xi32>], vector<16xf32>,
    %swap3A_993 = arith.constant 464 : index
    %swap3A_994 = tpu.vector_load %arg9[%swap3A_993] {strides = array<i32>} : memref<1024xf32, #tpu.memory_space<vmem>>, vector<16xf32>,
    tpu.vector_store %arg9[%swap3A_993], %gather3A_992 {strides = array<i32>} : memref<1024xf32, #tpu.memory_space<vmem>>, vector<16xf32>,
    %get3A_995 = arith.constant 480 : index
    %get3A_996 = tpu.vector_load %arg5[%get3A_995] {strides = array<i32>} : memref<1024xi32, #tpu.memory_space<vmem>>, vector<16xi32>,
    %gather3A_997 = tpu.vector_load_idx %arg7[%get3A_996] : memref<1024xf32, #tpu.memory_space<vmem>>[vector<16xi32>], vector<16xf32>,
    %swap3A_998 = arith.constant 480 : index
    %swap3A_999 = tpu.vector_load %arg9[%swap3A_998] {strides = array<i32>} : memref<1024xf32, #tpu.memory_space<vmem>>, vector<16xf32>,
    tpu.vector_store %arg9[%swap3A_998], %gather3A_997 {strides = array<i32>} : memref<1024xf32, #tpu.memory_space<vmem>>, vector<16xf32>,
    %get3A_1000 = arith.constant 496 : index
    %get3A_1001 = tpu.vector_load %arg5[%get3A_1000] {strides = array<i32>} : memref<1024xi32, #tpu.memory_space<vmem>>, vector<16xi32>,
    %gather3A_1002 = tpu.vector_load_idx %arg7[%get3A_1001] : memref<1024xf32, #tpu.memory_space<vmem>>[vector<16xi32>], vector<16xf32>,
    %swap3A_1003 = arith.constant 496 : index
    %swap3A_1004 = tpu.vector_load %arg9[%swap3A_1003] {strides = array<i32>} : memref<1024xf32, #tpu.memory_space<vmem>>, vector<16xf32>,
    tpu.vector_store %arg9[%swap3A_1003], %gather3A_1002 {strides = array<i32>} : memref<1024xf32, #tpu.memory_space<vmem>>, vector<16xf32>,
    %get3A_1005 = arith.constant 512 : index
    %get3A_1006 = tpu.vector_load %arg5[%get3A_1005] {strides = array<i32>} : memref<1024xi32, #tpu.memory_space<vmem>>, vector<16xi32>,
    %gather3A_1007 = tpu.vector_load_idx %arg7[%get3A_1006] : memref<1024xf32, #tpu.memory_space<vmem>>[vector<16xi32>], vector<16xf32>,
    %swap3A_1008 = arith.constant 512 : index
    %swap3A_1009 = tpu.vector_load %arg9[%swap3A_1008] {strides = array<i32>} : memref<1024xf32, #tpu.memory_space<vmem>>, vector<16xf32>,
    tpu.vector_store %arg9[%swap3A_1008], %gather3A_1007 {strides = array<i32>} : memref<1024xf32, #tpu.memory_space<vmem>>, vector<16xf32>,
    %get3A_1010 = arith.constant 528 : index
    %get3A_1011 = tpu.vector_load %arg5[%get3A_1010] {strides = array<i32>} : memref<1024xi32, #tpu.memory_space<vmem>>, vector<16xi32>,
    %gather3A_1012 = tpu.vector_load_idx %arg7[%get3A_1011] : memref<1024xf32, #tpu.memory_space<vmem>>[vector<16xi32>], vector<16xf32>,
    %swap3A_1013 = arith.constant 528 : index
    %swap3A_1014 = tpu.vector_load %arg9[%swap3A_1013] {strides = array<i32>} : memref<1024xf32, #tpu.memory_space<vmem>>, vector<16xf32>,
    tpu.vector_store %arg9[%swap3A_1013], %gather3A_1012 {strides = array<i32>} : memref<1024xf32, #tpu.memory_space<vmem>>, vector<16xf32>,
    %get3A_1015 = arith.constant 544 : index
    %get3A_1016 = tpu.vector_load %arg5[%get3A_1015] {strides = array<i32>} : memref<1024xi32, #tpu.memory_space<vmem>>, vector<16xi32>,
    %gather3A_1017 = tpu.vector_load_idx %arg7[%get3A_1016] : memref<1024xf32, #tpu.memory_space<vmem>>[vector<16xi32>], vector<16xf32>,
    %swap3A_1018 = arith.constant 544 : index
    %swap3A_1019 = tpu.vector_load %arg9[%swap3A_1018] {strides = array<i32>} : memref<1024xf32, #tpu.memory_space<vmem>>, vector<16xf32>,
    tpu.vector_store %arg9[%swap3A_1018], %gather3A_1017 {strides = array<i32>} : memref<1024xf32, #tpu.memory_space<vmem>>, vector<16xf32>,
    %get3A_1020 = arith.constant 560 : index
    %get3A_1021 = tpu.vector_load %arg5[%get3A_1020] {strides = array<i32>} : memref<1024xi32, #tpu.memory_space<vmem>>, vector<16xi32>,
    %gather3A_1022 = tpu.vector_load_idx %arg7[%get3A_1021] : memref<1024xf32, #tpu.memory_space<vmem>>[vector<16xi32>], vector<16xf32>,
    %swap3A_1023 = arith.constant 560 : index
    %swap3A_1024 = tpu.vector_load %arg9[%swap3A_1023] {strides = array<i32>} : memref<1024xf32, #tpu.memory_space<vmem>>, vector<16xf32>,
    tpu.vector_store %arg9[%swap3A_1023], %gather3A_1022 {strides = array<i32>} : memref<1024xf32, #tpu.memory_space<vmem>>, vector<16xf32>,
    %get3A_1025 = arith.constant 576 : index
    %get3A_1026 = tpu.vector_load %arg5[%get3A_1025] {strides = array<i32>} : memref<1024xi32, #tpu.memory_space<vmem>>, vector<16xi32>,
    %gather3A_1027 = tpu.vector_load_idx %arg7[%get3A_1026] : memref<1024xf32, #tpu.memory_space<vmem>>[vector<16xi32>], vector<16xf32>,
    %swap3A_1028 = arith.constant 576 : index
    %swap3A_1029 = tpu.vector_load %arg9[%swap3A_1028] {strides = array<i32>} : memref<1024xf32, #tpu.memory_space<vmem>>, vector<16xf32>,
    tpu.vector_store %arg9[%swap3A_1028], %gather3A_1027 {strides = array<i32>} : memref<1024xf32, #tpu.memory_space<vmem>>, vector<16xf32>,
    %get3A_1030 = arith.constant 592 : index
    %get3A_1031 = tpu.vector_load %arg5[%get3A_1030] {strides = array<i32>} : memref<1024xi32, #tpu.memory_space<vmem>>, vector<16xi32>,
    %gather3A_1032 = tpu.vector_load_idx %arg7[%get3A_1031] : memref<1024xf32, #tpu.memory_space<vmem>>[vector<16xi32>], vector<16xf32>,
    %swap3A_1033 = arith.constant 592 : index
    %swap3A_1034 = tpu.vector_load %arg9[%swap3A_1033] {strides = array<i32>} : memref<1024xf32, #tpu.memory_space<vmem>>, vector<16xf32>,
    tpu.vector_store %arg9[%swap3A_1033], %gather3A_1032 {strides = array<i32>} : memref<1024xf32, #tpu.memory_space<vmem>>, vector<16xf32>,
    %get3A_1035 = arith.constant 608 : index
    %get3A_1036 = tpu.vector_load %arg5[%get3A_1035] {strides = array<i32>} : memref<1024xi32, #tpu.memory_space<vmem>>, vector<16xi32>,
    %gather3A_1037 = tpu.vector_load_idx %arg7[%get3A_1036] : memref<1024xf32, #tpu.memory_space<vmem>>[vector<16xi32>], vector<16xf32>,
    %swap3A_1038 = arith.constant 608 : index
    %swap3A_1039 = tpu.vector_load %arg9[%swap3A_1038] {strides = array<i32>} : memref<1024xf32, #tpu.memory_space<vmem>>, vector<16xf32>,
    tpu.vector_store %arg9[%swap3A_1038], %gather3A_1037 {strides = array<i32>} : memref<1024xf32, #tpu.memory_space<vmem>>, vector<16xf32>,
    %get3A_1040 = arith.constant 624 : index
    %get3A_1041 = tpu.vector_load %arg5[%get3A_1040] {strides = array<i32>} : memref<1024xi32, #tpu.memory_space<vmem>>, vector<16xi32>,
    %gather3A_1042 = tpu.vector_load_idx %arg7[%get3A_1041] : memref<1024xf32, #tpu.memory_space<vmem>>[vector<16xi32>], vector<16xf32>,
    %swap3A_1043 = arith.constant 624 : index
    %swap3A_1044 = tpu.vector_load %arg9[%swap3A_1043] {strides = array<i32>} : memref<1024xf32, #tpu.memory_space<vmem>>, vector<16xf32>,
    tpu.vector_store %arg9[%swap3A_1043], %gather3A_1042 {strides = array<i32>} : memref<1024xf32, #tpu.memory_space<vmem>>, vector<16xf32>,
    %get3A_1045 = arith.constant 640 : index
    %get3A_1046 = tpu.vector_load %arg5[%get3A_1045] {strides = array<i32>} : memref<1024xi32, #tpu.memory_space<vmem>>, vector<16xi32>,
    %gather3A_1047 = tpu.vector_load_idx %arg7[%get3A_1046] : memref<1024xf32, #tpu.memory_space<vmem>>[vector<16xi32>], vector<16xf32>,
    %swap3A_1048 = arith.constant 640 : index
    %swap3A_1049 = tpu.vector_load %arg9[%swap3A_1048] {strides = array<i32>} : memref<1024xf32, #tpu.memory_space<vmem>>, vector<16xf32>,
    tpu.vector_store %arg9[%swap3A_1048], %gather3A_1047 {strides = array<i32>} : memref<1024xf32, #tpu.memory_space<vmem>>, vector<16xf32>,
    %get3A_1050 = arith.constant 656 : index
    %get3A_1051 = tpu.vector_load %arg5[%get3A_1050] {strides = array<i32>} : memref<1024xi32, #tpu.memory_space<vmem>>, vector<16xi32>,
    %gather3A_1052 = tpu.vector_load_idx %arg7[%get3A_1051] : memref<1024xf32, #tpu.memory_space<vmem>>[vector<16xi32>], vector<16xf32>,
    %swap3A_1053 = arith.constant 656 : index
    %swap3A_1054 = tpu.vector_load %arg9[%swap3A_1053] {strides = array<i32>} : memref<1024xf32, #tpu.memory_space<vmem>>, vector<16xf32>,
    tpu.vector_store %arg9[%swap3A_1053], %gather3A_1052 {strides = array<i32>} : memref<1024xf32, #tpu.memory_space<vmem>>, vector<16xf32>,
    %get3A_1055 = arith.constant 672 : index
    %get3A_1056 = tpu.vector_load %arg5[%get3A_1055] {strides = array<i32>} : memref<1024xi32, #tpu.memory_space<vmem>>, vector<16xi32>,
    %gather3A_1057 = tpu.vector_load_idx %arg7[%get3A_1056] : memref<1024xf32, #tpu.memory_space<vmem>>[vector<16xi32>], vector<16xf32>,
    %swap3A_1058 = arith.constant 672 : index
    %swap3A_1059 = tpu.vector_load %arg9[%swap3A_1058] {strides = array<i32>} : memref<1024xf32, #tpu.memory_space<vmem>>, vector<16xf32>,
    tpu.vector_store %arg9[%swap3A_1058], %gather3A_1057 {strides = array<i32>} : memref<1024xf32, #tpu.memory_space<vmem>>, vector<16xf32>,
    %get3A_1060 = arith.constant 688 : index
    %get3A_1061 = tpu.vector_load %arg5[%get3A_1060] {strides = array<i32>} : memref<1024xi32, #tpu.memory_space<vmem>>, vector<16xi32>,
    %gather3A_1062 = tpu.vector_load_idx %arg7[%get3A_1061] : memref<1024xf32, #tpu.memory_space<vmem>>[vector<16xi32>], vector<16xf32>,
    %swap3A_1063 = arith.constant 688 : index
    %swap3A_1064 = tpu.vector_load %arg9[%swap3A_1063] {strides = array<i32>} : memref<1024xf32, #tpu.memory_space<vmem>>, vector<16xf32>,
    tpu.vector_store %arg9[%swap3A_1063], %gather3A_1062 {strides = array<i32>} : memref<1024xf32, #tpu.memory_space<vmem>>, vector<16xf32>,
    %get3A_1065 = arith.constant 704 : index
    %get3A_1066 = tpu.vector_load %arg5[%get3A_1065] {strides = array<i32>} : memref<1024xi32, #tpu.memory_space<vmem>>, vector<16xi32>,
    %gather3A_1067 = tpu.vector_load_idx %arg7[%get3A_1066] : memref<1024xf32, #tpu.memory_space<vmem>>[vector<16xi32>], vector<16xf32>,
    %swap3A_1068 = arith.constant 704 : index
    %swap3A_1069 = tpu.vector_load %arg9[%swap3A_1068] {strides = array<i32>} : memref<1024xf32, #tpu.memory_space<vmem>>, vector<16xf32>,
    tpu.vector_store %arg9[%swap3A_1068], %gather3A_1067 {strides = array<i32>} : memref<1024xf32, #tpu.memory_space<vmem>>, vector<16xf32>,
    %get3A_1070 = arith.constant 720 : index
    %get3A_1071 = tpu.vector_load %arg5[%get3A_1070] {strides = array<i32>} : memref<1024xi32, #tpu.memory_space<vmem>>, vector<16xi32>,
    %gather3A_1072 = tpu.vector_load_idx %arg7[%get3A_1071] : memref<1024xf32, #tpu.memory_space<vmem>>[vector<16xi32>], vector<16xf32>,
    %swap3A_1073 = arith.constant 720 : index
    %swap3A_1074 = tpu.vector_load %arg9[%swap3A_1073] {strides = array<i32>} : memref<1024xf32, #tpu.memory_space<vmem>>, vector<16xf32>,
    tpu.vector_store %arg9[%swap3A_1073], %gather3A_1072 {strides = array<i32>} : memref<1024xf32, #tpu.memory_space<vmem>>, vector<16xf32>,
    %get3A_1075 = arith.constant 736 : index
    %get3A_1076 = tpu.vector_load %arg5[%get3A_1075] {strides = array<i32>} : memref<1024xi32, #tpu.memory_space<vmem>>, vector<16xi32>,
    %gather3A_1077 = tpu.vector_load_idx %arg7[%get3A_1076] : memref<1024xf32, #tpu.memory_space<vmem>>[vector<16xi32>], vector<16xf32>,
    %swap3A_1078 = arith.constant 736 : index
    %swap3A_1079 = tpu.vector_load %arg9[%swap3A_1078] {strides = array<i32>} : memref<1024xf32, #tpu.memory_space<vmem>>, vector<16xf32>,
    tpu.vector_store %arg9[%swap3A_1078], %gather3A_1077 {strides = array<i32>} : memref<1024xf32, #tpu.memory_space<vmem>>, vector<16xf32>,
    %get3A_1080 = arith.constant 752 : index
    %get3A_1081 = tpu.vector_load %arg5[%get3A_1080] {strides = array<i32>} : memref<1024xi32, #tpu.memory_space<vmem>>, vector<16xi32>,
    %gather3A_1082 = tpu.vector_load_idx %arg7[%get3A_1081] : memref<1024xf32, #tpu.memory_space<vmem>>[vector<16xi32>], vector<16xf32>,
    %swap3A_1083 = arith.constant 752 : index
    %swap3A_1084 = tpu.vector_load %arg9[%swap3A_1083] {strides = array<i32>} : memref<1024xf32, #tpu.memory_space<vmem>>, vector<16xf32>,
    tpu.vector_store %arg9[%swap3A_1083], %gather3A_1082 {strides = array<i32>} : memref<1024xf32, #tpu.memory_space<vmem>>, vector<16xf32>,
    %get3A_1085 = arith.constant 768 : index
    %get3A_1086 = tpu.vector_load %arg5[%get3A_1085] {strides = array<i32>} : memref<1024xi32, #tpu.memory_space<vmem>>, vector<16xi32>,
    %gather3A_1087 = tpu.vector_load_idx %arg7[%get3A_1086] : memref<1024xf32, #tpu.memory_space<vmem>>[vector<16xi32>], vector<16xf32>,
    %swap3A_1088 = arith.constant 768 : index
    %swap3A_1089 = tpu.vector_load %arg9[%swap3A_1088] {strides = array<i32>} : memref<1024xf32, #tpu.memory_space<vmem>>, vector<16xf32>,
    tpu.vector_store %arg9[%swap3A_1088], %gather3A_1087 {strides = array<i32>} : memref<1024xf32, #tpu.memory_space<vmem>>, vector<16xf32>,
    %get3A_1090 = arith.constant 784 : index
    %get3A_1091 = tpu.vector_load %arg5[%get3A_1090] {strides = array<i32>} : memref<1024xi32, #tpu.memory_space<vmem>>, vector<16xi32>,
    %gather3A_1092 = tpu.vector_load_idx %arg7[%get3A_1091] : memref<1024xf32, #tpu.memory_space<vmem>>[vector<16xi32>], vector<16xf32>,
    %swap3A_1093 = arith.constant 784 : index
    %swap3A_1094 = tpu.vector_load %arg9[%swap3A_1093] {strides = array<i32>} : memref<1024xf32, #tpu.memory_space<vmem>>, vector<16xf32>,
    tpu.vector_store %arg9[%swap3A_1093], %gather3A_1092 {strides = array<i32>} : memref<1024xf32, #tpu.memory_space<vmem>>, vector<16xf32>,
    %get3A_1095 = arith.constant 800 : index
    %get3A_1096 = tpu.vector_load %arg5[%get3A_1095] {strides = array<i32>} : memref<1024xi32, #tpu.memory_space<vmem>>, vector<16xi32>,
    %gather3A_1097 = tpu.vector_load_idx %arg7[%get3A_1096] : memref<1024xf32, #tpu.memory_space<vmem>>[vector<16xi32>], vector<16xf32>,
    %swap3A_1098 = arith.constant 800 : index
    %swap3A_1099 = tpu.vector_load %arg9[%swap3A_1098] {strides = array<i32>} : memref<1024xf32, #tpu.memory_space<vmem>>, vector<16xf32>,
    tpu.vector_store %arg9[%swap3A_1098], %gather3A_1097 {strides = array<i32>} : memref<1024xf32, #tpu.memory_space<vmem>>, vector<16xf32>,
    %get3A_1100 = arith.constant 816 : index
    %get3A_1101 = tpu.vector_load %arg5[%get3A_1100] {strides = array<i32>} : memref<1024xi32, #tpu.memory_space<vmem>>, vector<16xi32>,
    %gather3A_1102 = tpu.vector_load_idx %arg7[%get3A_1101] : memref<1024xf32, #tpu.memory_space<vmem>>[vector<16xi32>], vector<16xf32>,
    %swap3A_1103 = arith.constant 816 : index
    %swap3A_1104 = tpu.vector_load %arg9[%swap3A_1103] {strides = array<i32>} : memref<1024xf32, #tpu.memory_space<vmem>>, vector<16xf32>,
    tpu.vector_store %arg9[%swap3A_1103], %gather3A_1102 {strides = array<i32>} : memref<1024xf32, #tpu.memory_space<vmem>>, vector<16xf32>,
    %get3A_1105 = arith.constant 832 : index
    %get3A_1106 = tpu.vector_load %arg5[%get3A_1105] {strides = array<i32>} : memref<1024xi32, #tpu.memory_space<vmem>>, vector<16xi32>,
    %gather3A_1107 = tpu.vector_load_idx %arg7[%get3A_1106] : memref<1024xf32, #tpu.memory_space<vmem>>[vector<16xi32>], vector<16xf32>,
    %swap3A_1108 = arith.constant 832 : index
    %swap3A_1109 = tpu.vector_load %arg9[%swap3A_1108] {strides = array<i32>} : memref<1024xf32, #tpu.memory_space<vmem>>, vector<16xf32>,
    tpu.vector_store %arg9[%swap3A_1108], %gather3A_1107 {strides = array<i32>} : memref<1024xf32, #tpu.memory_space<vmem>>, vector<16xf32>,
    %get3A_1110 = arith.constant 848 : index
    %get3A_1111 = tpu.vector_load %arg5[%get3A_1110] {strides = array<i32>} : memref<1024xi32, #tpu.memory_space<vmem>>, vector<16xi32>,
    %gather3A_1112 = tpu.vector_load_idx %arg7[%get3A_1111] : memref<1024xf32, #tpu.memory_space<vmem>>[vector<16xi32>], vector<16xf32>,
    %swap3A_1113 = arith.constant 848 : index
    %swap3A_1114 = tpu.vector_load %arg9[%swap3A_1113] {strides = array<i32>} : memref<1024xf32, #tpu.memory_space<vmem>>, vector<16xf32>,
    tpu.vector_store %arg9[%swap3A_1113], %gather3A_1112 {strides = array<i32>} : memref<1024xf32, #tpu.memory_space<vmem>>, vector<16xf32>,
    %get3A_1115 = arith.constant 864 : index
    %get3A_1116 = tpu.vector_load %arg5[%get3A_1115] {strides = array<i32>} : memref<1024xi32, #tpu.memory_space<vmem>>, vector<16xi32>,
    %gather3A_1117 = tpu.vector_load_idx %arg7[%get3A_1116] : memref<1024xf32, #tpu.memory_space<vmem>>[vector<16xi32>], vector<16xf32>,
    %swap3A_1118 = arith.constant 864 : index
    %swap3A_1119 = tpu.vector_load %arg9[%swap3A_1118] {strides = array<i32>} : memref<1024xf32, #tpu.memory_space<vmem>>, vector<16xf32>,
    tpu.vector_store %arg9[%swap3A_1118], %gather3A_1117 {strides = array<i32>} : memref<1024xf32, #tpu.memory_space<vmem>>, vector<16xf32>,
    %get3A_1120 = arith.constant 880 : index
    %get3A_1121 = tpu.vector_load %arg5[%get3A_1120] {strides = array<i32>} : memref<1024xi32, #tpu.memory_space<vmem>>, vector<16xi32>,
    %gather3A_1122 = tpu.vector_load_idx %arg7[%get3A_1121] : memref<1024xf32, #tpu.memory_space<vmem>>[vector<16xi32>], vector<16xf32>,
    %swap3A_1123 = arith.constant 880 : index
    %swap3A_1124 = tpu.vector_load %arg9[%swap3A_1123] {strides = array<i32>} : memref<1024xf32, #tpu.memory_space<vmem>>, vector<16xf32>,
    tpu.vector_store %arg9[%swap3A_1123], %gather3A_1122 {strides = array<i32>} : memref<1024xf32, #tpu.memory_space<vmem>>, vector<16xf32>,
    %get3A_1125 = arith.constant 896 : index
    %get3A_1126 = tpu.vector_load %arg5[%get3A_1125] {strides = array<i32>} : memref<1024xi32, #tpu.memory_space<vmem>>, vector<16xi32>,
    %gather3A_1127 = tpu.vector_load_idx %arg7[%get3A_1126] : memref<1024xf32, #tpu.memory_space<vmem>>[vector<16xi32>], vector<16xf32>,
    %swap3A_1128 = arith.constant 896 : index
    %swap3A_1129 = tpu.vector_load %arg9[%swap3A_1128] {strides = array<i32>} : memref<1024xf32, #tpu.memory_space<vmem>>, vector<16xf32>,
    tpu.vector_store %arg9[%swap3A_1128], %gather3A_1127 {strides = array<i32>} : memref<1024xf32, #tpu.memory_space<vmem>>, vector<16xf32>,
    %get3A_1130 = arith.constant 912 : index
    %get3A_1131 = tpu.vector_load %arg5[%get3A_1130] {strides = array<i32>} : memref<1024xi32, #tpu.memory_space<vmem>>, vector<16xi32>,
    %gather3A_1132 = tpu.vector_load_idx %arg7[%get3A_1131] : memref<1024xf32, #tpu.memory_space<vmem>>[vector<16xi32>], vector<16xf32>,
    %swap3A_1133 = arith.constant 912 : index
    %swap3A_1134 = tpu.vector_load %arg9[%swap3A_1133] {strides = array<i32>} : memref<1024xf32, #tpu.memory_space<vmem>>, vector<16xf32>,
    tpu.vector_store %arg9[%swap3A_1133], %gather3A_1132 {strides = array<i32>} : memref<1024xf32, #tpu.memory_space<vmem>>, vector<16xf32>,
    %get3A_1135 = arith.constant 928 : index
    %get3A_1136 = tpu.vector_load %arg5[%get3A_1135] {strides = array<i32>} : memref<1024xi32, #tpu.memory_space<vmem>>, vector<16xi32>,
    %gather3A_1137 = tpu.vector_load_idx %arg7[%get3A_1136] : memref<1024xf32, #tpu.memory_space<vmem>>[vector<16xi32>], vector<16xf32>,
    %swap3A_1138 = arith.constant 928 : index
    %swap3A_1139 = tpu.vector_load %arg9[%swap3A_1138] {strides = array<i32>} : memref<1024xf32, #tpu.memory_space<vmem>>, vector<16xf32>,
    tpu.vector_store %arg9[%swap3A_1138], %gather3A_1137 {strides = array<i32>} : memref<1024xf32, #tpu.memory_space<vmem>>, vector<16xf32>,
    %get3A_1140 = arith.constant 944 : index
    %get3A_1141 = tpu.vector_load %arg5[%get3A_1140] {strides = array<i32>} : memref<1024xi32, #tpu.memory_space<vmem>>, vector<16xi32>,
    %gather3A_1142 = tpu.vector_load_idx %arg7[%get3A_1141] : memref<1024xf32, #tpu.memory_space<vmem>>[vector<16xi32>], vector<16xf32>,
    %swap3A_1143 = arith.constant 944 : index
    %swap3A_1144 = tpu.vector_load %arg9[%swap3A_1143] {strides = array<i32>} : memref<1024xf32, #tpu.memory_space<vmem>>, vector<16xf32>,
    tpu.vector_store %arg9[%swap3A_1143], %gather3A_1142 {strides = array<i32>} : memref<1024xf32, #tpu.memory_space<vmem>>, vector<16xf32>,
    %get3A_1145 = arith.constant 960 : index
    %get3A_1146 = tpu.vector_load %arg5[%get3A_1145] {strides = array<i32>} : memref<1024xi32, #tpu.memory_space<vmem>>, vector<16xi32>,
    %gather3A_1147 = tpu.vector_load_idx %arg7[%get3A_1146] : memref<1024xf32, #tpu.memory_space<vmem>>[vector<16xi32>], vector<16xf32>,
    %swap3A_1148 = arith.constant 960 : index
    %swap3A_1149 = tpu.vector_load %arg9[%swap3A_1148] {strides = array<i32>} : memref<1024xf32, #tpu.memory_space<vmem>>, vector<16xf32>,
    tpu.vector_store %arg9[%swap3A_1148], %gather3A_1147 {strides = array<i32>} : memref<1024xf32, #tpu.memory_space<vmem>>, vector<16xf32>,
    %get3A_1150 = arith.constant 976 : index
    %get3A_1151 = tpu.vector_load %arg5[%get3A_1150] {strides = array<i32>} : memref<1024xi32, #tpu.memory_space<vmem>>, vector<16xi32>,
    %gather3A_1152 = tpu.vector_load_idx %arg7[%get3A_1151] : memref<1024xf32, #tpu.memory_space<vmem>>[vector<16xi32>], vector<16xf32>,
    %swap3A_1153 = arith.constant 976 : index
    %swap3A_1154 = tpu.vector_load %arg9[%swap3A_1153] {strides = array<i32>} : memref<1024xf32, #tpu.memory_space<vmem>>, vector<16xf32>,
    tpu.vector_store %arg9[%swap3A_1153], %gather3A_1152 {strides = array<i32>} : memref<1024xf32, #tpu.memory_space<vmem>>, vector<16xf32>,
    %get3A_1155 = arith.constant 992 : index
    %get3A_1156 = tpu.vector_load %arg5[%get3A_1155] {strides = array<i32>} : memref<1024xi32, #tpu.memory_space<vmem>>, vector<16xi32>,
    %gather3A_1157 = tpu.vector_load_idx %arg7[%get3A_1156] : memref<1024xf32, #tpu.memory_space<vmem>>[vector<16xi32>], vector<16xf32>,
    %swap3A_1158 = arith.constant 992 : index
    %swap3A_1159 = tpu.vector_load %arg9[%swap3A_1158] {strides = array<i32>} : memref<1024xf32, #tpu.memory_space<vmem>>, vector<16xf32>,
    tpu.vector_store %arg9[%swap3A_1158], %gather3A_1157 {strides = array<i32>} : memref<1024xf32, #tpu.memory_space<vmem>>, vector<16xf32>,
    %get3A_1160 = arith.constant 1008 : index
    %get3A_1161 = tpu.vector_load %arg5[%get3A_1160] {strides = array<i32>} : memref<1024xi32, #tpu.memory_space<vmem>>, vector<16xi32>,
    %gather3A_1162 = tpu.vector_load_idx %arg7[%get3A_1161] : memref<1024xf32, #tpu.memory_space<vmem>>[vector<16xi32>], vector<16xf32>,
    %swap3A_1163 = arith.constant 1008 : index
    %swap3A_1164 = tpu.vector_load %arg9[%swap3A_1163] {strides = array<i32>} : memref<1024xf32, #tpu.memory_space<vmem>>, vector<16xf32>,
    tpu.vector_store %arg9[%swap3A_1163], %gather3A_1162 {strides = array<i32>} : memref<1024xf32, #tpu.memory_space<vmem>>, vector<16xf32>,
    %mul3A_1165 = arith.constant 1024 : i32
    %mul3A_1166 = arith.muli %add3A, %mul3A_1165 : i32
    "tpu.region"() ({
      %run_scoped3A = tpu.sem_alloc : memref<!tpu.dma_semaphore, #tpu.memory_space<semaphore_mem>>
      %dma_start3A_1167 = tpu.memref_slice %arg4[%mul3A_1166] : memref<16384xf32, #tpu.memory_space<hbm>> -> memref<1024xf32, #tpu.memory_space<hbm>>
      %dma_start3A_1168 = tpu.memref_slice %arg4[%mul3A_1166] : memref<16384xf32, #tpu.memory_space<hbm>> -> memref<1024xf32, #tpu.memory_space<hbm>>
      tpu.enqueue_dma source(%arg9 : memref<1024xf32, #tpu.memory_space<vmem>>) target(%dma_start3A_1168 : memref<1024xf32, #tpu.memory_space<hbm>>) target_semaphore(%run_scoped3A : memref<!tpu.dma_semaphore, #tpu.memory_space<semaphore_mem>>)
      %dma_wait3A_1169 = tpu.memref_slice %arg4[%mul3A_1166] : memref<16384xf32, #tpu.memory_space<hbm>> -> memref<1024xf32, #tpu.memory_space<hbm>>
      %dma_wait3A_1170 = tpu.memref_slice %arg4[%mul3A_1166] : memref<16384xf32, #tpu.memory_space<hbm>> -> memref<1024xf32, #tpu.memory_space<hbm>>
      tpu.wait_dma2 semaphore(%run_scoped3A : memref<!tpu.dma_semaphore, #tpu.memory_space<semaphore_mem>>) src(%arg9 : memref<1024xf32, #tpu.memory_space<vmem>>) dst(%dma_wait3A_1170 : memref<1024xf32, #tpu.memory_space<hbm>>)
      tpu.yield
    }) : () -> ()
    return
  }
}

</mosaic_0001>

<sc_bundles>
// kernel: kernel.3.cloned.1.call-start
scs
__scs_entry_jumppad:
0x0: {  	(pc) =	sbr.rel $0x88, $3  }
0x1: {  	(tag) =	ssettag $0x0;
	lr =	simm.s32 $0x1  }
0x2: {  	[smem:$0x3F9E] =	sst lr;
	_ =	strace $0xD0000000  }
0x3: {  	_ = 	snop  }
0x4: {  	_ = 	snop  }
0x5: {  	_ = 	snop  }
0x6: {  	_ = 	snop  }
0x7: {  	_ = 	snop  }
__scs_overlays_trampoline_lowered:
0x8: {  	[smem:$0x3FAD] =	sst s0  }
0x9: {  	[smem:$0x3FAE] =	sst s1  }
0xa: {  	[smem:$0x3FAF] =	sst s2  }
0xb: {  	[smem:$0x3FB0] =	sst s3  }
0xc: {  	[smem:$0x3FB1] =	sst s4  }
0xd: {  	[smem:$0x3FB2] =	sst s5  }
0xe: {  	[smem:$0x3FB3] =	sst s6  }
0xf: {  	[smem:$0x3FB4] =	sst s7  }
0x10: {  	[smem:$0x3FB5] =	sst s8  }
0x11: {  	[smem:$0x3FB6] =	sst s9;
	s0 =	simm.s32 @!p0 $0x0  }
0x12: {  	s1 =	sld [smem:$0x3F9C];
	s0 =	simm.s32 @p0 $0x1  }
0x13: {  	[smem:$0x3FB7] =	sst s0;
	s0 =	simm.s32 @!p1 $0x0  }
0x14: {  	s2 =	sld [smem:$0x3F9B];
	s0 =	simm.s32 @p1 $0x1  }
0x15: {  	[smem:$0x3FB8] =	sst s0;
	s0 =	simm.s32 @!p2 $0x0  }
0x16: {  	s3 =	sld [smem:$0x3FDB];
	s0 =	simm.s32 @p2 $0x1  }
0x17: {  	s4 =	simm.s32 $0x1BF5;
	[smem:$0x3FBA] =	sst s0  }
0x18: {  	s0 =	sld [smem:$0x3F9D];
	_ =	swait.ge [sflag:s4], $0x0  }
0x19: {  	s7 =	sld [smem:$0x3F9E]  }
0x1a: {  	s8 =	sadd.s32 $0xFFFFE003, lr  }
0x1b: {  	s9 =	sadd.s32 $0xFFFFFEF7, lr;
	s5 =	simm.s32 $0xFFFFFFFF;
	p2 =	slt.u32 s8, $0xFFFFF086  }
0x1c: {  	p1 =	slt.u32 s9, $0xF7A;
	s5 =	simm.s32 @!p2 $0x0  }
0x1d: {  	s5 =	simm.s32 @p1 $0x1;
	p0 =	seq.s32 s7, s2  }
0x1e: {  	s7 =	smul.u32 @!p0 $0xF7A, s2;
	p2 =	seq.s32 @!p0 s5, $0x0  }
0x1f: {  	s9 =	smul.u32 $0xF7A, s1;
	s8 =	simm.s32 @!p0 $0x1BF5;
	p2 =	por !p2, p0  }
0x20: {  	[sflag:s8] =	ssyncset.s32 @!p0 $0xFFFFF086;
	s6 =	sadd.s32 @!p0 s3, s7;
	s7 =	simm.s32 @!p0 $0x108  }
0x21: {  	s3 =	sadd.s32 s3, s9;
	s6 =	sadd.s32 @!p0 $0x88, s6;
	s7 =	simm.s32 @p2 $0x1082  }
0x22: {  	[simem:s7], [sflag:s8] =	dma.local @!p0 [hbm:s6], $0xF7A  }
0x23: {  	s9 =	sor.u32 $0xD0000000, s2;
	s6 =	simm.s32 $0x108;
	_ =	swait.ge @!p0 [sflag:s8], $0x0  }
0x24: {  	s3 =	sadd.s32 $0x88, s3;
	s6 =	simm.s32 @!p1 $0x1082;
	[sflag:s4] =	ssyncset.s32 $0xFFFFF086  }
0x25: {  	[simem:s6], [sflag:s4] =	dma.local [hbm:s3], $0xF7A  }
0x26: {  	[smem:$0x3F9E] =	sst s1;
	(tag) =	ssettag s2;
	_ =	strace s9  }
0x27: {  	s1 =	sld [smem:$0x3FAE]  }
0x28: {  	s2 =	sld [smem:$0x3FAF]  }
0x29: {  	s4 =	sld [smem:$0x3FB1]  }
0x2a: {  	p0 =	seq.s32 s5, $0x0;
	s5 =	sld [smem:$0x3FB2]  }
0x2b: {  	s6 =	sld [smem:$0x3FB3]  }
0x2c: {  	s7 =	sld [smem:$0x3FB4]  }
0x2d: {  	s3 =	simm.s32 $0x108;
	s8 =	sld [smem:$0x3FB5]  }
0x2e: {  	s3 =	simm.s32 @!p0 $0x1082;
	s9 =	sld [smem:$0x3FB6]  }
0x2f: {  	lr =	sadd.s32 s0, s3;
	s0 =	sld [smem:$0x3FAD]  }
0x30: {  	s3 =	sld [smem:$0x3FB0]  }
0x31: {  	[smem:$0x3FB9] =	sst s10  }
0x32: {  	s10 =	sld [smem:$0x3FB7];
	_ =	sdelay $0x3  }
0x33: {  	p0 =	seq.s32 s10, $0x1;
	s10 =	sld [smem:$0x3FB9];
	_ =	sdelay $0x3  }
0x34: {  	[smem:$0x3FB9] =	sst s10  }
0x35: {  	s10 =	sld [smem:$0x3FB8];
	_ =	sdelay $0x3  }
0x36: {  	p1 =	seq.s32 s10, $0x1;
	s10 =	sld [smem:$0x3FB9];
	_ =	sdelay $0x3  }
0x37: {  	[smem:$0x3FB9] =	sst s10  }
0x38: {  	s10 =	sld [smem:$0x3FBA]  }
0x39: {  	_ = 	snop;
	(pc) =	sbr.ind lr, $3  }
0x3a: {  	_ = 	snop  }
0x3b: {  	_ = 	snop  }
0x3c: {  	p2 =	seq.s32 s10, $0x1;
	s10 =	sld [smem:$0x3FB9]  }
0x3d: {  	_ =	shalt  }
0x3e: {  	_ =	shalt  }
0x3f: {  	_ =	shalt  }
0x40: {  	_ =	shalt  }
0x41: {  	_ =	shalt  }
0x42: {  	_ =	shalt  }
0x43: {  	_ =	shalt  }
0x44: {  	_ =	shalt  }
0x45: {  	_ =	shalt  }
0x46: {  	_ =	shalt  }
0x47: {  	_ =	shalt  }
0x48: {  	_ =	shalt  }
0x49: {  	_ =	shalt  }
0x4a: {  	_ =	shalt  }
0x4b: {  	_ =	shalt  }
0x4c: {  	_ =	shalt  }
0x4d: {  	_ =	shalt  }
0x4e: {  	_ =	shalt  }
0x4f: {  	_ =	shalt  }
0x50: {  	_ =	shalt  }
0x51: {  	_ =	shalt  }
0x52: {  	_ =	shalt  }
0x53: {  	_ =	shalt  }
0x54: {  	_ =	shalt  }
0x55: {  	_ =	shalt  }
0x56: {  	_ =	shalt  }
0x57: {  	_ =	shalt  }
0x58: {  	_ =	shalt  }
0x59: {  	_ =	shalt  }
0x5a: {  	_ =	shalt  }
0x5b: {  	_ =	shalt  }
0x5c: {  	_ =	shalt  }
0x5d: {  	_ =	shalt  }
0x5e: {  	_ =	shalt  }
0x5f: {  	_ =	shalt  }
0x60: {  	_ =	shalt  }
0x61: {  	_ =	shalt  }
0x62: {  	_ =	shalt  }
0x63: {  	_ =	shalt  }
0x64: {  	_ =	shalt  }
0x65: {  	_ =	shalt  }
0x66: {  	_ =	shalt  }
0x67: {  	_ =	shalt  }
0x68: {  	_ =	shalt  }
0x69: {  	_ =	shalt  }
0x6a: {  	_ =	shalt  }
0x6b: {  	_ =	shalt  }
0x6c: {  	_ =	shalt  }
0x6d: {  	_ =	shalt  }
0x6e: {  	_ =	shalt  }
0x6f: {  	_ =	shalt  }
0x70: {  	_ =	shalt  }
0x71: {  	_ =	shalt  }
0x72: {  	_ =	shalt  }
0x73: {  	_ =	shalt  }
0x74: {  	_ =	shalt  }
0x75: {  	_ =	shalt  }
0x76: {  	_ =	shalt  }
0x77: {  	_ =	shalt  }
0x78: {  	_ =	shalt  }
0x79: {  	_ =	shalt  }
0x7a: {  	_ =	shalt  }
0x7b: {  	_ =	shalt  }
0x7c: {  	_ =	shalt  }
0x7d: {  	_ =	shalt  }
0x7e: {  	_ =	shalt  }
0x7f: {  	_ =	shalt  }
0x80: {  	_ =	shalt  }
0x81: {  	_ =	shalt  }
0x82: {  	_ =	shalt  }
0x83: {  	_ =	shalt  }
0x84: {  	_ =	shalt  }
0x85: {  	_ =	shalt  }
0x86: {  	_ =	shalt  }
0x87: {  	_ =	shalt  }
.Lfunc_end0:
.L_simem_size_0:
called_computation_lowered:
.L_overlay_start_0:
0x88: {  	s0 =	sld [smem:$0x3FD9]  }
0x89: {  	s1 =	sld [smem:$0x3FFE];
	_ =	sdelay $0x3  }
0x8a: {  	s0 =	sadd.s32 s1, s0  }
0x8b: {  	[smem:$0x3FC5] =	sst s0  }
0x8c: {  	_ = 	snop  }
0x8d: {  	s0 =	sld [smem:$0x3FD0];
	(tm) =	ssettm $0x1  }
0x8e: {  	s16 =	sld [smem:$0x3FFB];
	_ =	sdelay $0x3  }
0x8f: {  	_ =	strace s16  }
0x90: {  	s1 =	sld [smem:$0x3FFC];
	_ =	sdelay $0x3  }
0x91: {  	_ =	strace s1  }
0x92: {  	s1 =	sld [smem:$0x3FFD];
	_ =	sdelay $0x3  }
0x93: {  	_ =	strace s1  }
0x94: {  	_ =	strace $0x8FFFFFFF  }
0x95: {  	s17 =	sld [smem:$0x3FDB];
	_ =	sdelay $0x1  }
0x96: {  	s2 =	simm.s32 $_scs_section_size  }
0x97: {  	s3 =	simm.s32 $_size__tile_overlayer_lowered;
	s4 =	simm.s32 $_tile_overlayer_lowered  }
0x98: {  	s20 =	simm.s32 $0x1BFF;
	s19 =	sshll.u32 s4, $0x1;
	s1 =	sadd.s32 s2, s17  }
0x99: {  	s5 =	simm.s32 $0x0;
	s18 =	sshll.u32 s3, $0x1;
	s3 =	sadd.s32 s19, s1  }
0x9a: {  	[timem:s5], [sflag:s20] =	dma.local [hbm:s3], s18  }
0x9b: {  	_ =	swait.ge [sflag:s20], s18  }
0x9c: {  	s2 =	ssub.s32 $0x0, s18;
	[sflag:s20] =	ssyncset.done $0x0  }
0x9d: {  	[sflag:s20] =	ssyncadd.s32 s2;
	_ =	sdelay $0x1  }
0x9e: {  	s21 =	simm.s32 $0x1B8B  }
0x9f: {  	_ =	swait.ge [sflag:s21], $0x1  }
0xa0: {  	[sflag:s21] =	ssyncset.done $0x0  }
0xa1: {  	s23 =	simm.s32 $0x1B8E;
	s22 =	sld [smem:$0x3FFE];
	[sflag:s21] =	ssyncadd.s32 $0xFFFFFFFF  }
0xa2: {  	s24 =	simm.s32 $execute0_lowered;
	[smem:$0x3FD2] =	sst s23  }
0xa3: {  	s3 =	sshll.u32 s24, $0x1;
	_ =	strace $0x80000046;
	[dreg:$0x1] =	wrdreg $0xFFFFFFFF  }
0xa4: {  	s25 =	simm.s32 $_size_execute0_lowered;
	s1 =	sadd.s32 s1, s3;
	[dreg:$0x0] =	wrdreg $0x0  }
0xa5: {  	s3 =	sshll.u32 s25, $0x1;
	[dreg:$0x2] =	wrdreg s1  }
0xa6: {  	[dreg:$0x3] =	wrdreg s3  }
0xa7: {  	[dreg:$0x4] =	wrdreg $0xC0  }
0xa8: {  	_ =	task [dreg:s5], $0x5FFFF  }
0xa9: {  	[dreg:$0x1] =	wrdreg $0xFFFFFFFF  }
0xaa: {  	[dreg:$0x0] =	wrdreg $0x60  }
0xab: {  	[dreg:$0x2] =	wrdreg s22  }
0xac: {  	[dreg:$0x3] =	wrdreg s0  }
0xad: {  	[dreg:$0x4] =	wrdreg $0xF000  }
0xae: {  	[dreg:$0x5] =	wrdreg $0x9  }
0xaf: {  	_ =	task.clear_ibuf [dreg:s5], $0x6FFFF;
	_ =	strace $0x90000046  }
0xb0: {  	s26 =	simm.s32 $0x9;
	_ =	strace $0x80000048  }
0xb1: {  	_ =	swait.ge [sflag:s26], $0x1  }
0xb2: {  	[sflag:s26] =	ssyncadd.s32 $0xFFFFFFFF  }
0xb3: {  	_ =	strace $0x90000048  }
0xb4: {  	_ =	sfence  }
0xb5: {  	s28 =	sld [smem:$0x0];
	_ =	sdelay $0x1  }
0xb6: {  	s29 =	srdreg.scid  }
0xb7: {  	s30 =	sshll.u32 s29, $0xD;
	s31 =	sshrl.u32 s29, $0x2  }
0xb8: {  	s2 =	sand.u32 $0x4000, s30;
	s1 =	sand.u32 $0x1, s29;
	s0 =	sadd.s32 s31, s28  }
0xb9: {  	s1 =	sor.u32 s2, s1;
	s0 =	sshll.u32 s0, $0x11  }
0xba: {  	s0 =	sor.u32 s0, s1  }
0xbb: {  	s0 =	sadd.s32 $0x8F2B, s0  }
0xbc: {  	[sflag:s0] =	ssyncadd.remote.s32 $0x1  }
0xbd: {  	_ =	sfence.sel $0xFFFF  }
0xbe: {  	[dreg:$0x0] =	wrdreg $0xFFFFFFFF;
	(pc) =	sbr.abs _section_cstart, $3  }
0xbf: {  	[dreg:$0x1] =	wrdreg $0xFFFFFFFF  }
0xc0: {  	_ =	task.clear_ibuf [dreg:s5], $0x2FFFF;
	_ =	strace $0x9FFFFFFF  }
0xc1: {  	(tm) =	ssettm $0x7FFFFFFF  }
tec
execute0_lowered:
.L_overlay_start_1:
0x0: {  	(tag) =	ssettag $0x1  }
0x1: {  	s6 =	rddreg [dreg:$0x0]  }
0x2: {  	s2 =	rddreg [dreg:$0x1];
	s1 =	stileid.u32  }
0x3: {  	s5 =	rddreg [dreg:$0x2];
	s3 =	simm.s32 $0x0;
	s4 =	sshll.u32 s1, $0x7  }
0x4: {  	[smem:$0x7FF] =	sst s3;
	s7 =	sadd.s32 s4, s6  }
0x5: {  	s0 =	rddreg [dreg:$0x3];
	_ =	strace $0x80000047;
	s7 =	sadd.s32 $0x800, s7  }
0x6: {  	[tilespmem:s3], [sflag:$0x1] =	stream.linear.gather [hbm4b:s7+s3], $0x400, $0x38;
	[tilespmem:$0xF40] =	vst v63  }
0x7: {  	s22 =	simm.s32 $0x400;
	s23 =	simm.s32 $0x2;
	s21 =	sadd.s32 $0x600, s6  }
0x8: {  	[tilespmem:s22], [sflag:$0x2] =	stream.linear.gather [hbm4b:s21+s3], $0x280, $0x38;
	[tilespmem:$0xF40] =	vst v63  }
0x9: {  	_ =	swait.ge [sflag:s23], $0x280  }
0xa: {  	[sflag:s23] =	ssyncset.done $0x0  }
0xb: {  	[sflag:s23] =	ssyncadd.s32 $0xFFFFFD80  }
0xc: {  	v0 =	vld [tilespmem:$0x600];
	_ =	sdelay $0x4  }
0xd: {  	v0 =	vadd.f32 $1.000000000e-30, v0;
	_ =	sdelay $0x1  }
0xe: {  	v1 =	vshrl.u32 v0, $0x1;
	v2 =	vmul.f32 $5.000000000e-01, v0  }
0xf: {  	v1 =	vsub.s32 $0x5F3759DF, v1  }
0x10: {  	v3 =	vmul.f32 v1, v2;
	_ =	sdelay $0x1  }
0x11: {  	v3 =	vmul.f32 v1, v3;
	_ =	sdelay $0x1  }
0x12: {  	v3 =	vsub.f32 $1.500000000e+00, v3;
	_ =	sdelay $0x1  }
0x13: {  	v1 =	vmul.f32 v1, v3;
	_ =	sdelay $0x1  }
0x14: {  	v3 =	vmul.f32 v1, v2;
	_ =	sdelay $0x1  }
0x15: {  	v3 =	vmul.f32 v3, v1;
	_ =	sdelay $0x1  }
0x16: {  	v3 =	vsub.f32 $1.500000000e+00, v3;
	_ =	sdelay $0x1  }
0x17: {  	v1 =	vmul.f32 v3, v1;
	_ =	sdelay $0x1  }
0x18: {  	v2 =	vmul.f32 v1, v2;
	_ =	sdelay $0x1  }
0x19: {  	v2 =	vmul.f32 v2, v1;
	_ =	sdelay $0x1  }
0x1a: {  	v2 =	vsub.f32 $1.500000000e+00, v2  }
0x1b: {  	v35 =	vld [tilespmem:$0x400]  }
0x1c: {  	v36 =	vld [tilespmem:$0x410];
	v1 =	vmul.f32 v2, v1  }
0x1d: {  	v4 =	vld [tilespmem:$0x420]  }
0x1e: {  	v37 =	vld [tilespmem:$0x430];
	v5 =	vmul.f32 v1, v0  }
0x1f: {  	v38 =	vld [tilespmem:$0x440]  }
0x20: {  	v6 =	vld [tilespmem:$0x450];
	v3 =	vmul.f32 v5, v35  }
0x21: {  	v7 =	vld [tilespmem:$0x460];
	v2 =	vmul.f32 v5, v36  }
0x22: {  	v40 =	vld [tilespmem:$0x470];
	v39 =	vmul.f32 v5, v4;
	[tilespmem:$0x400] =	vst v3  }
0x23: {  	v41 =	vld [tilespmem:$0x480];
	v0 =	vmul.f32 v5, v37;
	[tilespmem:$0x410] =	vst v2  }
0x24: {  	v42 =	vld [tilespmem:$0x490];
	v1 =	vmul.f32 v5, v38;
	[tilespmem:$0x420] =	vst v39  }
0x25: {  	v44 =	vld [tilespmem:$0x4A0];
	v43 =	vmul.f32 v5, v6;
	[tilespmem:$0x430] =	vst v0  }
0x26: {  	v46 =	vld [tilespmem:$0x4B0];
	v45 =	vmul.f32 v5, v7;
	[tilespmem:$0x440] =	vst v1  }
0x27: {  	v48 =	vld [tilespmem:$0x4C0];
	v47 =	vmul.f32 v5, v40;
	[tilespmem:$0x450] =	vst v43  }
0x28: {  	v50 =	vld [tilespmem:$0x4D0];
	v49 =	vmul.f32 v5, v41;
	[tilespmem:$0x460] =	vst v45  }
0x29: {  	v52 =	vld [tilespmem:$0x4E0];
	v51 =	vmul.f32 v42, v5;
	[tilespmem:$0x470] =	vst v47  }
0x2a: {  	v54 =	vld [tilespmem:$0x4F0];
	v53 =	vmul.f32 v44, v5;
	[tilespmem:$0x480] =	vst v49  }
0x2b: {  	v56 =	vld [tilespmem:$0x500];
	v55 =	vmul.f32 v46, v5;
	[tilespmem:$0x490] =	vst v51  }
0x2c: {  	v58 =	vld [tilespmem:$0x510];
	v57 =	vmul.f32 v48, v5;
	[tilespmem:$0x4A0] =	vst v53  }
0x2d: {  	v60 =	vld [tilespmem:$0x520];
	v59 =	vmul.f32 v50, v5;
	[tilespmem:$0x4B0] =	vst v55  }
0x2e: {  	v62 =	vld [tilespmem:$0x530];
	v61 =	vmul.f32 v52, v5;
	[tilespmem:$0x4C0] =	vst v57  }
0x2f: {  	v9 =	vld [tilespmem:$0x540];
	v63 =	vmul.f32 v54, v5;
	[tilespmem:$0x4D0] =	vst v59  }
0x30: {  	v11 =	vld [tilespmem:$0x550];
	v10 =	vmul.f32 v56, v5;
	[tilespmem:$0x4E0] =	vst v61  }
0x31: {  	v13 =	vld [tilespmem:$0x560];
	v12 =	vmul.f32 v58, v5;
	[tilespmem:$0x4F0] =	vst v63  }
0x32: {  	v15 =	vld [tilespmem:$0x570];
	v14 =	vmul.f32 v60, v5;
	[tilespmem:$0x500] =	vst v10  }
0x33: {  	v17 =	vld [tilespmem:$0x580];
	v16 =	vmul.f32 v62, v5;
	[tilespmem:$0x510] =	vst v12  }
0x34: {  	v19 =	vld [tilespmem:$0x590];
	v18 =	vmul.f32 v9, v5;
	[tilespmem:$0x520] =	vst v14  }
0x35: {  	v21 =	vld [tilespmem:$0x5A0];
	v20 =	vmul.f32 v11, v5;
	[tilespmem:$0x530] =	vst v16  }
0x36: {  	v23 =	vld [tilespmem:$0x5B0];
	v22 =	vmul.f32 v13, v5;
	[tilespmem:$0x540] =	vst v18  }
0x37: {  	v29 =	vld [tilespmem:$0x5E0];
	v24 =	vmul.f32 v15, v5;
	[tilespmem:$0x550] =	vst v20  }
0x38: {  	v31 =	vld [tilespmem:$0x5F0];
	v26 =	vmul.f32 v17, v5;
	[tilespmem:$0x560] =	vst v22  }
0x39: {  	v25 =	vld [tilespmem:$0x5C0];
	v28 =	vmul.f32 v19, v5;
	[tilespmem:$0x570] =	vst v24  }
0x3a: {  	v27 =	vld [tilespmem:$0x5D0];
	v30 =	vmul.f32 v21, v5;
	[tilespmem:$0x580] =	vst v26  }
0x3b: {  	s24 =	sshll.u32 s1, $0x6;
	v4 =	vmul.f32 v23, v5;
	[tilespmem:$0x590] =	vst v28  }
0x3c: {  	v32 =	vmul.f32 v29, v5;
	v14 =	vmov s24;
	v0 =	vlaneseq.u32;
	[tilespmem:$0x5A0] =	vst v30  }
0x3d: {  	v34 =	vmul.f32 v31, v5;
	[tilespmem:$0x5B0] =	vst v4;
	v16 =	vshrl.u32 v14, $0x1;
	v1 =	vmul.u32 $0x10, v0  }
0x3e: {  	v2 =	vmul.f32 v25, v5;
	[tilespmem:$0x5E0] =	vst v32  }
0x3f: {  	v3 =	vmul.f32 v27, v5;
	[tilespmem:$0x5F0] =	vst v34;
	v33 =	vor.u32 $0x1, v16  }
0x40: {  	[tilespmem:$0x5C0] =	vst v2;
	v35 =	vor.u32 $0x2, v16  }
0x41: {  	[tilespmem:$0x5D0] =	vst v3;
	v7 =	vor.u32 $0x1, v1  }
0x42: {  	v10 =	vor.u32 $0x2, v1;
	v3 =	vld.idx.msk [tilespmem:v16+s22+$0x0], $0xffff  }
0x43: {  	v37 =	vor.u32 $0x3, v16;
	v36 =	vld.idx.msk [tilespmem:v1+s22+$0x0], $0xffff  }
0x44: {  	v15 =	vor.u32 $0x3, v1;
	v8 =	vld.idx.msk [tilespmem:v33+s22+$0x0], $0xffff  }
0x45: {  	v12 =	vld.idx.msk [tilespmem:v35+s22+$0x0], $0xffff  }
0x46: {  	v23 =	vor.u32 $0x4, v16;
	v9 =	vld.idx.msk [tilespmem:v7+s22+$0x0], $0xffff  }
0x47: {  	v11 =	vor.u32 $0x4, v1;
	v13 =	vld.idx.msk [tilespmem:v10+s22+$0x0], $0xffff  }
0x48: {  	v24 =	vor.u32 $0x5, v16;
	v17 =	vld.idx.msk [tilespmem:v37+s22+$0x0], $0xffff  }
0x49: {  	v5 =	vor.u32 $0x5, v1;
	v18 =	vld.idx.msk [tilespmem:v15+s22+$0x0], $0xffff;
	v3 =	vsub.f32 v3, v36  }
0x4a: {  	v25 =	vor.u32 $0x6, v16  }
0x4b: {  	v19 =	vld.idx.msk [tilespmem:v23+s22+$0x0], $0xffff;
	v9 =	vsub.f32 v8, v9;
	v8 =	vor.u32 $0x6, v1;
	v3 =	vmul.f32 v3, v3  }
0x4c: {  	v26 =	vor.u32 $0x7, v16;
	v20 =	vld.idx.msk [tilespmem:v11+s22+$0x0], $0xffff;
	v13 =	vsub.f32 v12, v13  }
0x4d: {  	v22 =	vld.idx.msk [tilespmem:v24+s22+$0x0], $0xffff;
	v12 =	vor.u32 $0x7, v1;
	v9 =	vmul.f32 v9, v9;
	v3 =	vadd.f32 $9.999999960e-13, v3  }
0x4e: {  	v27 =	vor.u32 $0x8, v16;
	v39 =	vld.idx.msk [tilespmem:v5+s22+$0x0], $0xffff;
	v18 =	vsub.f32 v17, v18  }
0x4f: {  	v28 =	vld.idx.msk [tilespmem:v25+s22+$0x0], $0xffff;
	v17 =	vor.u32 $0x8, v1;
	v38 =	vmul.f32 v13, v13;
	v3 =	vadd.f32 v9, v3  }
0x50: {  	v29 =	vor.u32 $0x9, v16;
	v21 =	vor.u32 $0x9, v1;
	v40 =	vld.idx.msk [tilespmem:v8+s22+$0x0], $0xffff  }
0x51: {  	v41 =	vld.idx.msk [tilespmem:v26+s22+$0x0], $0xffff;
	v19 =	vsub.f32 v19, v20;
	v18 =	vmul.f32 v18, v18;
	v3 =	vadd.f32 v38, v3  }
0x52: {  	v30 =	vld.idx.msk [tilespmem:v12+s22+$0x0], $0xffff  }
0x53: {  	v43 =	vld.idx.msk [tilespmem:v27+s22+$0x0], $0xffff;
	v42 =	vmul.f32 v19, v19;
	v13 =	vsub.f32 v22, v39;
	v3 =	vadd.f32 v18, v3  }
0x54: {  	v44 =	vld.idx.msk [tilespmem:v17+s22+$0x0], $0xffff  }
0x55: {  	v45 =	vld.idx.msk [tilespmem:v29+s22+$0x0], $0xffff;
	v13 =	vmul.f32 v13, v13;
	v9 =	vsub.f32 v28, v40;
	v3 =	vadd.f32 v42, v3  }
0x56: {  	v46 =	vld.idx.msk [tilespmem:v21+s22+$0x0], $0xffff  }
0x57: {  	v47 =	vsub.f32 v41, v30;
	v9 =	vmul.f32 v9, v9;
	v3 =	vadd.f32 v13, v3;
	_ =	sdelay $0x1  }
0x58: {  	v49 =	vsub.f32 v43, v44;
	v48 =	vmul.f32 v47, v47;
	v3 =	vadd.f32 v9, v3;
	_ =	sdelay $0x1  }
0x59: {  	v51 =	vsub.f32 v45, v46;
	v50 =	vmul.f32 v49, v49;
	v3 =	vadd.f32 v48, v3;
	_ =	sdelay $0x1  }
0x5a: {  	v52 =	vmul.f32 v51, v51;
	v3 =	vadd.f32 v50, v3;
	_ =	sdelay $0x1  }
0x5b: {  	v3 =	vadd.f32 v52, v3;
	_ =	sdelay $0x1  }
0x5c: {  	v9 =	vshrl.u32 v3, $0x1;
	v53 =	vmul.f32 $5.000000000e-01, v3  }
0x5d: {  	v9 =	vsub.s32 $0x5F3759DF, v9  }
0x5e: {  	v54 =	vmul.f32 v9, v53;
	_ =	sdelay $0x1  }
0x5f: {  	v18 =	vmul.f32 v9, v54;
	_ =	sdelay $0x1  }
0x60: {  	v18 =	vsub.f32 $1.500000000e+00, v18;
	_ =	sdelay $0x1  }
0x61: {  	v9 =	vmul.f32 v9, v18;
	_ =	sdelay $0x1  }
0x62: {  	v18 =	vmul.f32 v9, v53;
	_ =	sdelay $0x1  }
0x63: {  	v18 =	vmul.f32 v18, v9;
	_ =	sdelay $0x1  }
0x64: {  	v18 =	vsub.f32 $1.500000000e+00, v18;
	_ =	sdelay $0x1  }
0x65: {  	v9 =	vmul.f32 v18, v9;
	_ =	sdelay $0x1  }
0x66: {  	v13 =	vmul.f32 v9, v53;
	_ =	sdelay $0x1  }
0x67: {  	v13 =	vmul.f32 v13, v9;
	_ =	sdelay $0x1  }
0x68: {  	v13 =	vsub.f32 $1.500000000e+00, v13;
	_ =	sdelay $0x1  }
0x69: {  	v9 =	vmul.f32 v13, v9  }
0x6a: {  	v22 =	vor.u32 $0x100, v1  }
0x6b: {  	v3 =	vmul.f32 v9, v3  }
0x6c: {  	v18 =	vor.u32 $0x101, v1  }
0x6d: {  	[tilespmem:$0xA80] =	vst v3  }
0x6e: {  	v19 =	vor.u32 $0x102, v1;
	v3 =	vld.idx.msk [tilespmem:v16+s22+$0x0], $0xffff  }
0x6f: {  	v55 =	vld.idx.msk [tilespmem:v22+s22+$0x0], $0xffff  }
0x70: {  	v20 =	vor.u32 $0x103, v1;
	v4 =	vld.idx.msk [tilespmem:v33+s22+$0x0], $0xffff  }
0x71: {  	v56 =	vld.idx.msk [tilespmem:v18+s22+$0x0], $0xffff  }
0x72: {  	v13 =	vor.u32 $0x104, v1;
	v57 =	vld.idx.msk [tilespmem:v35+s22+$0x0], $0xffff  }
0x73: {  	v31 =	vld.idx.msk [tilespmem:v19+s22+$0x0], $0xffff  }
0x74: {  	v6 =	vld.idx.msk [tilespmem:v37+s22+$0x0], $0xffff  }
0x75: {  	v59 =	vld.idx.msk [tilespmem:v20+s22+$0x0], $0xffff;
	v58 =	vsub.f32 v3, v55;
	v3 =	vor.u32 $0x105, v1  }
0x76: {  	v23 =	vld.idx.msk [tilespmem:v23+s22+$0x0], $0xffff  }
0x77: {  	v2 =	vor.u32 $0x106, v1;
	v60 =	vld.idx.msk [tilespmem:v13+s22+$0x0], $0xffff;
	v4 =	vsub.f32 v4, v56;
	v9 =	vmul.f32 v58, v58  }
0x78: {  	v30 =	vsub.f32 v57, v31  }
0x79: {  	v24 =	vld.idx.msk [tilespmem:v24+s22+$0x0], $0xffff;
	v32 =	vmul.f32 v4, v4;
	v4 =	vor.u32 $0x107, v1;
	v9 =	vadd.f32 $9.999999960e-13, v9  }
0x7a: {  	v28 =	vsub.f32 v6, v59;
	v61 =	vld.idx.msk [tilespmem:v3+s22+$0x0], $0xffff  }
0x7b: {  	v25 =	vld.idx.msk [tilespmem:v25+s22+$0x0], $0xffff;
	v6 =	vor.u32 $0x108, v1;
	v30 =	vmul.f32 v30, v30;
	v9 =	vadd.f32 v32, v9  }
0x7c: {  	v33 =	vld.idx.msk [tilespmem:v2+s22+$0x0], $0xffff;
	v23 =	vsub.f32 v23, v60  }
0x7d: {  	v26 =	vld.idx.msk [tilespmem:v26+s22+$0x0], $0xffff;
	v28 =	vmul.f32 v28, v28;
	v30 =	vadd.f32 v30, v9;
	v9 =	vor.u32 $0x109, v1  }
0x7e: {  	v62 =	vld.idx.msk [tilespmem:v4+s22+$0x0], $0xffff  }
0x7f: {  	v27 =	vld.idx.msk [tilespmem:v27+s22+$0x0], $0xffff;
	v23 =	vmul.f32 v23, v23;
	v28 =	vadd.f32 v28, v30;
	v24 =	vsub.f32 v24, v61  }
0x80: {  	v63 =	vld.idx.msk [tilespmem:v6+s22+$0x0], $0xffff  }
0x81: {  	v25 =	vsub.f32 v25, v33;
	v33 =	vld.idx.msk [tilespmem:v29+s22+$0x0], $0xffff;
	v23 =	vadd.f32 v23, v28;
	v24 =	vmul.f32 v24, v24  }
0x82: {  	v34 =	vld.idx.msk [tilespmem:v9+s22+$0x0], $0xffff  }
0x83: {  	v35 =	vmul.f32 v25, v25;
	v36 =	vsub.f32 v26, v62;
	v23 =	vadd.f32 v24, v23;
	_ =	sdelay $0x1  }
0x84: {  	v38 =	vsub.f32 v27, v63;
	v37 =	vmul.f32 v36, v36;
	v23 =	vadd.f32 v35, v23;
	_ =	sdelay $0x1  }
0x85: {  	v39 =	vmul.f32 v38, v38;
	v23 =	vadd.f32 v37, v23;
	v40 =	vsub.f32 v33, v34;
	_ =	sdelay $0x1  }
0x86: {  	v23 =	vadd.f32 v39, v23;
	v41 =	vmul.f32 v40, v40;
	_ =	sdelay $0x1  }
0x87: {  	v23 =	vadd.f32 v41, v23;
	_ =	sdelay $0x1  }
0x88: {  	v24 =	vshrl.u32 v23, $0x1;
	v42 =	vmul.f32 $5.000000000e-01, v23  }
0x89: {  	v24 =	vsub.s32 $0x5F3759DF, v24  }
0x8a: {  	v43 =	vmul.f32 v24, v42;
	_ =	sdelay $0x1  }
0x8b: {  	v26 =	vmul.f32 v24, v43;
	_ =	sdelay $0x1  }
0x8c: {  	v26 =	vsub.f32 $1.500000000e+00, v26;
	_ =	sdelay $0x1  }
0x8d: {  	v24 =	vmul.f32 v24, v26;
	_ =	sdelay $0x1  }
0x8e: {  	v26 =	vmul.f32 v24, v42;
	_ =	sdelay $0x1  }
0x8f: {  	v26 =	vmul.f32 v26, v24;
	_ =	sdelay $0x1  }
0x90: {  	v26 =	vsub.f32 $1.500000000e+00, v26;
	_ =	sdelay $0x1  }
0x91: {  	v24 =	vmul.f32 v26, v24;
	_ =	sdelay $0x1  }
0x92: {  	v25 =	vmul.f32 v24, v42;
	_ =	sdelay $0x1  }
0x93: {  	v25 =	vmul.f32 v25, v24  }
0x94: {  	v14 =	vor.u32 $0x20, v14  }
0x95: {  	v14 =	vshrl.u32 v14, $0x1;
	v25 =	vsub.f32 $1.500000000e+00, v25  }
0x96: {  	v14 =	vand.u32 $0x70, v14;
	v16 =	vand.u32 $0x180, v16  }
0x97: {  	v14 =	vor.u32 v16, v14;
	v24 =	vmul.f32 v25, v24;
	_ =	sdelay $0x1  }
0x98: {  	v44 =	vor.u32 $0x1, v14;
	v23 =	vmul.f32 v24, v23;
	_ =	sdelay $0x1  }
0x99: {  	v45 =	vor.u32 $0x2, v14;
	[tilespmem:$0xA90] =	vst v23  }
0x9a: {  	v23 =	vld.idx.msk [tilespmem:v14+s22+$0x0], $0xffff  }
0x9b: {  	v46 =	vor.u32 $0x3, v14;
	v1 =	vld.idx.msk [tilespmem:v1+s22+$0x0], $0xffff  }
0x9c: {  	v25 =	vld.idx.msk [tilespmem:v44+s22+$0x0], $0xffff  }
0x9d: {  	v47 =	vor.u32 $0x4, v14;
	v7 =	vld.idx.msk [tilespmem:v7+s22+$0x0], $0xffff  }
0x9e: {  	v24 =	vld.idx.msk [tilespmem:v45+s22+$0x0], $0xffff  }
0x9f: {  	v48 =	vor.u32 $0x5, v14;
	v10 =	vld.idx.msk [tilespmem:v10+s22+$0x0], $0xffff  }
0xa0: {  	v49 =	vld.idx.msk [tilespmem:v46+s22+$0x0], $0xffff;
	v1 =	vsub.f32 v23, v1  }
0xa1: {  	v50 =	vor.u32 $0x6, v14;
	v15 =	vld.idx.msk [tilespmem:v15+s22+$0x0], $0xffff  }
0xa2: {  	v51 =	vld.idx.msk [tilespmem:v47+s22+$0x0], $0xffff;
	v7 =	vsub.f32 v25, v7;
	v1 =	vmul.f32 v1, v1  }
0xa3: {  	v52 =	vor.u32 $0x7, v14;
	v11 =	vld.idx.msk [tilespmem:v11+s22+$0x0], $0xffff  }
0xa4: {  	v53 =	vld.idx.msk [tilespmem:v48+s22+$0x0], $0xffff;
	v10 =	vsub.f32 v24, v10;
	v7 =	vmul.f32 v7, v7;
	v1 =	vadd.f32 $9.999999960e-13, v1  }
0xa5: {  	v54 =	vor.u32 $0x8, v14;
	v5 =	vld.idx.msk [tilespmem:v5+s22+$0x0], $0xffff  }
0xa6: {  	v57 =	vld.idx.msk [tilespmem:v50+s22+$0x0], $0xffff;
	v56 =	vsub.f32 v49, v15;
	v55 =	vmul.f32 v10, v10;
	v1 =	vadd.f32 v7, v1  }
0xa7: {  	v14 =	vor.u32 $0x9, v14;
	v8 =	vld.idx.msk [tilespmem:v8+s22+$0x0], $0xffff  }
0xa8: {  	v60 =	vld.idx.msk [tilespmem:v52+s22+$0x0], $0xffff;
	v59 =	vsub.f32 v51, v11;
	v58 =	vmul.f32 v56, v56;
	v1 =	vadd.f32 v55, v1  }
0xa9: {  	v12 =	vld.idx.msk [tilespmem:v12+s22+$0x0], $0xffff  }
0xaa: {  	v62 =	vld.idx.msk [tilespmem:v54+s22+$0x0], $0xffff;
	v5 =	vsub.f32 v53, v5;
	v61 =	vmul.f32 v59, v59;
	v1 =	vadd.f32 v58, v1  }
0xab: {  	v17 =	vld.idx.msk [tilespmem:v17+s22+$0x0], $0xffff  }
0xac: {  	v63 =	vsub.f32 v57, v8;
	v23 =	vld.idx.msk [tilespmem:v14+s22+$0x0], $0xffff;
	v5 =	vmul.f32 v5, v5;
	v1 =	vadd.f32 v61, v1  }
0xad: {  	v24 =	vld.idx.msk [tilespmem:v21+s22+$0x0], $0xffff  }
0xae: {  	v26 =	vsub.f32 v60, v12;
	v25 =	vmul.f32 v63, v63;
	v1 =	vadd.f32 v5, v1;
	_ =	sdelay $0x1  }
0xaf: {  	v28 =	vsub.f32 v62, v17;
	v27 =	vmul.f32 v26, v26;
	v1 =	vadd.f32 v25, v1;
	_ =	sdelay $0x1  }
0xb0: {  	v29 =	vmul.f32 v28, v28;
	v30 =	vsub.f32 v23, v24;
	v1 =	vadd.f32 v27, v1;
	_ =	sdelay $0x1  }
0xb1: {  	v31 =	vmul.f32 v30, v30;
	v1 =	vadd.f32 v29, v1;
	_ =	sdelay $0x1  }
0xb2: {  	v1 =	vadd.f32 v31, v1;
	_ =	sdelay $0x1  }
0xb3: {  	v5 =	vshrl.u32 v1, $0x1;
	v32 =	vmul.f32 $5.000000000e-01, v1  }
0xb4: {  	v5 =	vsub.s32 $0x5F3759DF, v5  }
0xb5: {  	v33 =	vmul.f32 v5, v32;
	_ =	sdelay $0x1  }
0xb6: {  	v8 =	vmul.f32 v5, v33;
	_ =	sdelay $0x1  }
0xb7: {  	v8 =	vsub.f32 $1.500000000e+00, v8;
	_ =	sdelay $0x1  }
0xb8: {  	v5 =	vmul.f32 v5, v8;
	_ =	sdelay $0x1  }
0xb9: {  	v8 =	vmul.f32 v5, v32;
	_ =	sdelay $0x1  }
0xba: {  	v8 =	vmul.f32 v8, v5;
	_ =	sdelay $0x1  }
0xbb: {  	v8 =	vsub.f32 $1.500000000e+00, v8;
	_ =	sdelay $0x1  }
0xbc: {  	v5 =	vmul.f32 v8, v5;
	_ =	sdelay $0x1  }
0xbd: {  	v7 =	vmul.f32 v5, v32;
	_ =	sdelay $0x1  }
0xbe: {  	v0 =	vor.u32 $0x30, v0;
	v7 =	vmul.f32 v7, v5  }
0xbf: {  	v0 =	vor.u32 s24, v0  }
0xc0: {  	v0 =	vshrl.u32 v0, $0x1;
	v7 =	vsub.f32 $1.500000000e+00, v7  }
0xc1: {  	v34 =	vand.u32 $0x70, v0  }
0xc2: {  	v8 =	vor.u32 v16, v34;
	v5 =	vmul.f32 v7, v5;
	_ =	sdelay $0x1  }
0xc3: {  	v35 =	vor.u32 $0x1, v8;
	v1 =	vmul.f32 v5, v1;
	_ =	sdelay $0x1  }
0xc4: {  	v36 =	vor.u32 $0x2, v8;
	[tilespmem:$0xAA0] =	vst v1  }
0xc5: {  	v1 =	vld.idx.msk [tilespmem:v8+s22+$0x0], $0xffff  }
0xc6: {  	v37 =	vor.u32 $0x3, v8;
	v38 =	vld.idx.msk [tilespmem:v22+s22+$0x0], $0xffff  }
0xc7: {  	v7 =	vld.idx.msk [tilespmem:v35+s22+$0x0], $0xffff  }
0xc8: {  	v39 =	vor.u32 $0x4, v8;
	v40 =	vld.idx.msk [tilespmem:v18+s22+$0x0], $0xffff  }
0xc9: {  	v5 =	vld.idx.msk [tilespmem:v36+s22+$0x0], $0xffff  }
0xca: {  	v41 =	vor.u32 $0x5, v8;
	v42 =	vld.idx.msk [tilespmem:v19+s22+$0x0], $0xffff  }
0xcb: {  	v10 =	vld.idx.msk [tilespmem:v37+s22+$0x0], $0xffff;
	v1 =	vsub.f32 v1, v38  }
0xcc: {  	v43 =	vor.u32 $0x6, v8;
	v44 =	vld.idx.msk [tilespmem:v20+s22+$0x0], $0xffff  }
0xcd: {  	v12 =	vld.idx.msk [tilespmem:v39+s22+$0x0], $0xffff;
	v7 =	vsub.f32 v7, v40;
	v1 =	vmul.f32 v1, v1  }
0xce: {  	v0 =	vand.u32 $0x78, v0;
	v45 =	vor.u32 $0x7, v8;
	v13 =	vld.idx.msk [tilespmem:v13+s22+$0x0], $0xffff  }
0xcf: {  	v15 =	vld.idx.msk [tilespmem:v41+s22+$0x0], $0xffff;
	v5 =	vsub.f32 v5, v42;
	v7 =	vmul.f32 v7, v7;
	v1 =	vadd.f32 $9.999999960e-13, v1  }
0xd0: {  	v0 =	vor.u32 v16, v0;
	v3 =	vld.idx.msk [tilespmem:v3+s22+$0x0], $0xffff  }
0xd1: {  	v47 =	vld.idx.msk [tilespmem:v43+s22+$0x0], $0xffff;
	v46 =	vsub.f32 v10, v44;
	v5 =	vmul.f32 v5, v5;
	v1 =	vadd.f32 v7, v1  }
0xd2: {  	v8 =	vor.u32 $0x9, v8;
	v2 =	vld.idx.msk [tilespmem:v2+s22+$0x0], $0xffff  }
0xd3: {  	v50 =	vld.idx.msk [tilespmem:v45+s22+$0x0], $0xffff;
	v49 =	vsub.f32 v12, v13;
	v48 =	vmul.f32 v46, v46;
	v1 =	vadd.f32 v5, v1  }
0xd4: {  	v4 =	vld.idx.msk [tilespmem:v4+s22+$0x0], $0xffff  }
0xd5: {  	v0 =	vld.idx.msk [tilespmem:v0+s22+$0x0], $0xffff;
	v3 =	vsub.f32 v15, v3;
	v51 =	vmul.f32 v49, v49;
	v1 =	vadd.f32 v48, v1  }
0xd6: {  	v6 =	vld.idx.msk [tilespmem:v6+s22+$0x0], $0xffff  }
0xd7: {  	v53 =	vld.idx.msk [tilespmem:v9+s22+$0x0], $0xffff;
	v2 =	vsub.f32 v47, v2;
	v3 =	vmul.f32 v3, v3;
	v1 =	vadd.f32 v51, v1  }
0xd8: {  	v52 =	vld.idx.msk [tilespmem:v8+s22+$0x0], $0xffff  }
0xd9: {  	v54 =	vsub.f32 v50, v4;
	v2 =	vmul.f32 v2, v2;
	v1 =	vadd.f32 v3, v1;
	_ =	sdelay $0x1  }
0xda: {  	v0 =	vsub.f32 v0, v6;
	v55 =	vmul.f32 v54, v54;
	v1 =	vadd.f32 v2, v1;
	_ =	sdelay $0x1  }
0xdb: {  	v0 =	vmul.f32 v0, v0;
	v56 =	vsub.f32 v52, v53;
	v1 =	vadd.f32 v55, v1;
	_ =	sdelay $0x1  }
0xdc: {  	v57 =	vmul.f32 v56, v56;
	v0 =	vadd.f32 v0, v1;
	_ =	sdelay $0x1  }
0xdd: {  	v0 =	vadd.f32 v57, v0;
	_ =	sdelay $0x1  }
0xde: {  	v1 =	vshrl.u32 v0, $0x1;
	v58 =	vmul.f32 $5.000000000e-01, v0  }
0xdf: {  	v1 =	vsub.s32 $0x5F3759DF, v1  }
0xe0: {  	v59 =	vmul.f32 v1, v58;
	_ =	sdelay $0x1  }
0xe1: {  	v3 =	vmul.f32 v1, v59;
	_ =	sdelay $0x1  }
0xe2: {  	v3 =	vsub.f32 $1.500000000e+00, v3;
	_ =	sdelay $0x1  }
0xe3: {  	v1 =	vmul.f32 v1, v3;
	_ =	sdelay $0x1  }
0xe4: {  	v3 =	vmul.f32 v1, v58;
	_ =	sdelay $0x1  }
0xe5: {  	v3 =	vmul.f32 v3, v1;
	_ =	sdelay $0x1  }
0xe6: {  	v3 =	vsub.f32 $1.500000000e+00, v3;
	_ =	sdelay $0x1  }
0xe7: {  	v1 =	vmul.f32 v3, v1;
	_ =	sdelay $0x1  }
0xe8: {  	v2 =	vmul.f32 v1, v58;
	_ =	sdelay $0x1  }
0xe9: {  	v2 =	vmul.f32 v2, v1;
	_ =	sdelay $0x1  }
0xea: {  	v2 =	vsub.f32 $1.500000000e+00, v2;
	_ =	sdelay $0x1  }
0xeb: {  	v1 =	vmul.f32 v2, v1;
	_ =	sdelay $0x1  }
0xec: {  	v0 =	vmul.f32 v1, v0;
	_ =	sdelay $0x1  }
0xed: {  	s26 =	simm.s32 $0xA80;
	s28 =	simm.s32 $0x3;
	s25 =	sadd.s32 s24, s5;
	[tilespmem:$0xAB0] =	vst v0  }
0xee: {  	[spmem:s25] =	stream.linear.scatter [tilespmem:s26], [sflag:$0x3], $0x40, $0x38;
	[tilespmem:$0xF40] =	vst v63  }
0xef: {  	_ =	swait.ge [sflag:s28], $0x40  }
0xf0: {  	[sflag:s28] =	ssyncset.done $0x0  }
0xf1: {  	[sflag:s28] =	ssyncadd.s32 $0xFFFFFFC0  }
0xf2: {  	s29 =	simm.s32 $0x680;
	[bflag:$0x0] =	sbarrier.arrive $0xFFFF  }
0xf3: {  	[tilespmem:s29], [sflag:$0x3] =	stream.linear.gather [spmem:s5], $0x400, $0x38;
	[tilespmem:$0xF40] =	vst v63  }
0xf4: {  	_ =	swait.ge [sflag:s28], $0x400  }
0xf5: {  	[sflag:s28] =	ssyncset.done $0x0  }
0xf6: {  	s30 =	simm.s32 $0x1;
	[sflag:s28] =	ssyncadd.s32 $0xFFFFFC00  }
0xf7: {  	_ =	swait.ge [sflag:s30], $0x400  }
0xf8: {  	[sflag:s30] =	ssyncset.done $0x0  }
0xf9: {  	[sflag:s30] =	ssyncadd.s32 $0xFFFFFC00  }
0xfa: {  	v60 =	vld [tilespmem:$0x0];
	_ =	sdelay $0x5  }
0xfb: {  	v61 =	vld [tilespmem:$0x10];
	_ =	sdelay $0x1  }
0xfc: {  	v0 =	vld.idx.msk [tilespmem:v60+s29+$0x0], $0xffff;
	_ =	sdelay $0x3  }
0xfd: {  	v62 =	vld [tilespmem:$0x20]  }
0xfe: {  	[tilespmem:$0xB00] =	vst v0  }
0xff: {  	v0 =	vld.idx.msk [tilespmem:v61+s29+$0x0], $0xffff;
	_ =	sdelay $0x3  }
0x100: {  	v63 =	vld [tilespmem:$0x30]  }
0x101: {  	[tilespmem:$0xB10] =	vst v0  }
0x102: {  	v0 =	vld.idx.msk [tilespmem:v62+s29+$0x0], $0xffff;
	_ =	sdelay $0x3  }
0x103: {  	v4 =	vld [tilespmem:$0x40]  }
0x104: {  	[tilespmem:$0xB20] =	vst v0  }
0x105: {  	v0 =	vld.idx.msk [tilespmem:v63+s29+$0x0], $0xffff;
	_ =	sdelay $0x3  }
0x106: {  	v5 =	vld [tilespmem:$0x50]  }
0x107: {  	[tilespmem:$0xB30] =	vst v0  }
0x108: {  	v0 =	vld.idx.msk [tilespmem:v4+s29+$0x0], $0xffff;
	_ =	sdelay $0x3  }
0x109: {  	v6 =	vld [tilespmem:$0x60]  }
0x10a: {  	[tilespmem:$0xB40] =	vst v0  }
0x10b: {  	v0 =	vld.idx.msk [tilespmem:v5+s29+$0x0], $0xffff;
	_ =	sdelay $0x3  }
0x10c: {  	v7 =	vld [tilespmem:$0x70]  }
0x10d: {  	[tilespmem:$0xB50] =	vst v0  }
0x10e: {  	v0 =	vld.idx.msk [tilespmem:v6+s29+$0x0], $0xffff;
	_ =	sdelay $0x3  }
0x10f: {  	v8 =	vld [tilespmem:$0x80]  }
0x110: {  	[tilespmem:$0xB60] =	vst v0  }
0x111: {  	v0 =	vld.idx.msk [tilespmem:v7+s29+$0x0], $0xffff;
	_ =	sdelay $0x3  }
0x112: {  	v9 =	vld [tilespmem:$0x90]  }
0x113: {  	[tilespmem:$0xB70] =	vst v0  }
0x114: {  	v0 =	vld.idx.msk [tilespmem:v8+s29+$0x0], $0xffff;
	_ =	sdelay $0x3  }
0x115: {  	v10 =	vld [tilespmem:$0xA0]  }
0x116: {  	[tilespmem:$0xB80] =	vst v0  }
0x117: {  	v0 =	vld.idx.msk [tilespmem:v9+s29+$0x0], $0xffff;
	_ =	sdelay $0x3  }
0x118: {  	v11 =	vld [tilespmem:$0xB0]  }
0x119: {  	[tilespmem:$0xB90] =	vst v0  }
0x11a: {  	v0 =	vld.idx.msk [tilespmem:v10+s29+$0x0], $0xffff;
	_ =	sdelay $0x3  }
0x11b: {  	v12 =	vld [tilespmem:$0xC0]  }
0x11c: {  	[tilespmem:$0xBA0] =	vst v0  }
0x11d: {  	v0 =	vld.idx.msk [tilespmem:v11+s29+$0x0], $0xffff;
	_ =	sdelay $0x3  }
0x11e: {  	v13 =	vld [tilespmem:$0xD0]  }
0x11f: {  	[tilespmem:$0xBB0] =	vst v0  }
0x120: {  	v0 =	vld.idx.msk [tilespmem:v12+s29+$0x0], $0xffff;
	_ =	sdelay $0x3  }
0x121: {  	v14 =	vld [tilespmem:$0xE0]  }
0x122: {  	[tilespmem:$0xBC0] =	vst v0  }
0x123: {  	v0 =	vld.idx.msk [tilespmem:v13+s29+$0x0], $0xffff;
	_ =	sdelay $0x3  }
0x124: {  	v15 =	vld [tilespmem:$0xF0]  }
0x125: {  	[tilespmem:$0xBD0] =	vst v0  }
0x126: {  	v0 =	vld.idx.msk [tilespmem:v14+s29+$0x0], $0xffff;
	_ =	sdelay $0x3  }
0x127: {  	v16 =	vld [tilespmem:$0x100]  }
0x128: {  	[tilespmem:$0xBE0] =	vst v0  }
0x129: {  	v0 =	vld.idx.msk [tilespmem:v15+s29+$0x0], $0xffff;
	_ =	sdelay $0x3  }
0x12a: {  	v17 =	vld [tilespmem:$0x110]  }
0x12b: {  	[tilespmem:$0xBF0] =	vst v0  }
0x12c: {  	v0 =	vld.idx.msk [tilespmem:v16+s29+$0x0], $0xffff;
	_ =	sdelay $0x3  }
0x12d: {  	v18 =	vld [tilespmem:$0x120]  }
0x12e: {  	[tilespmem:$0xC00] =	vst v0  }
0x12f: {  	v0 =	vld.idx.msk [tilespmem:v17+s29+$0x0], $0xffff;
	_ =	sdelay $0x3  }
0x130: {  	v19 =	vld [tilespmem:$0x130]  }
0x131: {  	[tilespmem:$0xC10] =	vst v0  }
0x132: {  	v0 =	vld.idx.msk [tilespmem:v18+s29+$0x0], $0xffff;
	_ =	sdelay $0x3  }
0x133: {  	v20 =	vld [tilespmem:$0x140]  }
0x134: {  	[tilespmem:$0xC20] =	vst v0  }
0x135: {  	v0 =	vld.idx.msk [tilespmem:v19+s29+$0x0], $0xffff;
	_ =	sdelay $0x3  }
0x136: {  	v21 =	vld [tilespmem:$0x150]  }
0x137: {  	[tilespmem:$0xC30] =	vst v0  }
0x138: {  	v0 =	vld.idx.msk [tilespmem:v20+s29+$0x0], $0xffff;
	_ =	sdelay $0x3  }
0x139: {  	v22 =	vld [tilespmem:$0x160]  }
0x13a: {  	[tilespmem:$0xC40] =	vst v0  }
0x13b: {  	v0 =	vld.idx.msk [tilespmem:v21+s29+$0x0], $0xffff;
	_ =	sdelay $0x3  }
0x13c: {  	v23 =	vld [tilespmem:$0x170]  }
0x13d: {  	[tilespmem:$0xC50] =	vst v0  }
0x13e: {  	v0 =	vld.idx.msk [tilespmem:v22+s29+$0x0], $0xffff;
	_ =	sdelay $0x3  }
0x13f: {  	v24 =	vld [tilespmem:$0x180]  }
0x140: {  	[tilespmem:$0xC60] =	vst v0  }
0x141: {  	v0 =	vld.idx.msk [tilespmem:v23+s29+$0x0], $0xffff;
	_ =	sdelay $0x3  }
0x142: {  	v25 =	vld [tilespmem:$0x190]  }
0x143: {  	[tilespmem:$0xC70] =	vst v0  }
0x144: {  	v0 =	vld.idx.msk [tilespmem:v24+s29+$0x0], $0xffff;
	_ =	sdelay $0x3  }
0x145: {  	v26 =	vld [tilespmem:$0x1A0]  }
0x146: {  	[tilespmem:$0xC80] =	vst v0  }
0x147: {  	v0 =	vld.idx.msk [tilespmem:v25+s29+$0x0], $0xffff;
	_ =	sdelay $0x3  }
0x148: {  	v27 =	vld [tilespmem:$0x1B0]  }
0x149: {  	[tilespmem:$0xC90] =	vst v0  }
0x14a: {  	v0 =	vld.idx.msk [tilespmem:v26+s29+$0x0], $0xffff;
	_ =	sdelay $0x3  }
0x14b: {  	v28 =	vld [tilespmem:$0x1C0]  }
0x14c: {  	[tilespmem:$0xCA0] =	vst v0  }
0x14d: {  	v0 =	vld.idx.msk [tilespmem:v27+s29+$0x0], $0xffff;
	_ =	sdelay $0x3  }
0x14e: {  	v29 =	vld [tilespmem:$0x1D0]  }
0x14f: {  	[tilespmem:$0xCB0] =	vst v0  }
0x150: {  	v0 =	vld.idx.msk [tilespmem:v28+s29+$0x0], $0xffff;
	_ =	sdelay $0x3  }
0x151: {  	v30 =	vld [tilespmem:$0x1E0]  }
0x152: {  	[tilespmem:$0xCC0] =	vst v0  }
0x153: {  	v0 =	vld.idx.msk [tilespmem:v29+s29+$0x0], $0xffff;
	_ =	sdelay $0x3  }
0x154: {  	v31 =	vld [tilespmem:$0x1F0]  }
0x155: {  	[tilespmem:$0xCD0] =	vst v0  }
0x156: {  	v0 =	vld.idx.msk [tilespmem:v30+s29+$0x0], $0xffff;
	_ =	sdelay $0x3  }
0x157: {  	v32 =	vld [tilespmem:$0x200]  }
0x158: {  	[tilespmem:$0xCE0] =	vst v0  }
0x159: {  	v0 =	vld.idx.msk [tilespmem:v31+s29+$0x0], $0xffff;
	_ =	sdelay $0x3  }
0x15a: {  	v33 =	vld [tilespmem:$0x210]  }
0x15b: {  	[tilespmem:$0xCF0] =	vst v0  }
0x15c: {  	v0 =	vld.idx.msk [tilespmem:v32+s29+$0x0], $0xffff;
	_ =	sdelay $0x3  }
0x15d: {  	v34 =	vld [tilespmem:$0x220]  }
0x15e: {  	[tilespmem:$0xD00] =	vst v0  }
0x15f: {  	v0 =	vld.idx.msk [tilespmem:v33+s29+$0x0], $0xffff;
	_ =	sdelay $0x3  }
0x160: {  	v35 =	vld [tilespmem:$0x230]  }
0x161: {  	[tilespmem:$0xD10] =	vst v0  }
0x162: {  	v0 =	vld.idx.msk [tilespmem:v34+s29+$0x0], $0xffff;
	_ =	sdelay $0x3  }
0x163: {  	v36 =	vld [tilespmem:$0x240]  }
0x164: {  	[tilespmem:$0xD20] =	vst v0  }
0x165: {  	v0 =	vld.idx.msk [tilespmem:v35+s29+$0x0], $0xffff;
	_ =	sdelay $0x3  }
0x166: {  	v37 =	vld [tilespmem:$0x250]  }
0x167: {  	[tilespmem:$0xD30] =	vst v0  }
0x168: {  	v0 =	vld.idx.msk [tilespmem:v36+s29+$0x0], $0xffff;
	_ =	sdelay $0x3  }
0x169: {  	v38 =	vld [tilespmem:$0x260]  }
0x16a: {  	[tilespmem:$0xD40] =	vst v0  }
0x16b: {  	v0 =	vld.idx.msk [tilespmem:v37+s29+$0x0], $0xffff;
	_ =	sdelay $0x3  }
0x16c: {  	v39 =	vld [tilespmem:$0x270]  }
0x16d: {  	[tilespmem:$0xD50] =	vst v0  }
0x16e: {  	v0 =	vld.idx.msk [tilespmem:v38+s29+$0x0], $0xffff;
	_ =	sdelay $0x3  }
0x16f: {  	v40 =	vld [tilespmem:$0x280]  }
0x170: {  	[tilespmem:$0xD60] =	vst v0  }
0x171: {  	v0 =	vld.idx.msk [tilespmem:v39+s29+$0x0], $0xffff;
	_ =	sdelay $0x3  }
0x172: {  	v41 =	vld [tilespmem:$0x290]  }
0x173: {  	[tilespmem:$0xD70] =	vst v0  }
0x174: {  	v0 =	vld.idx.msk [tilespmem:v40+s29+$0x0], $0xffff;
	_ =	sdelay $0x3  }
0x175: {  	v42 =	vld [tilespmem:$0x2A0]  }
0x176: {  	[tilespmem:$0xD80] =	vst v0  }
0x177: {  	v0 =	vld.idx.msk [tilespmem:v41+s29+$0x0], $0xffff;
	_ =	sdelay $0x3  }
0x178: {  	v43 =	vld [tilespmem:$0x2B0]  }
0x179: {  	[tilespmem:$0xD90] =	vst v0  }
0x17a: {  	v0 =	vld.idx.msk [tilespmem:v42+s29+$0x0], $0xffff;
	_ =	sdelay $0x3  }
0x17b: {  	v44 =	vld [tilespmem:$0x2C0]  }
0x17c: {  	[tilespmem:$0xDA0] =	vst v0  }
0x17d: {  	v0 =	vld.idx.msk [tilespmem:v43+s29+$0x0], $0xffff;
	_ =	sdelay $0x3  }
0x17e: {  	v45 =	vld [tilespmem:$0x2D0]  }
0x17f: {  	[tilespmem:$0xDB0] =	vst v0  }
0x180: {  	v0 =	vld.idx.msk [tilespmem:v44+s29+$0x0], $0xffff;
	_ =	sdelay $0x3  }
0x181: {  	v46 =	vld [tilespmem:$0x2E0]  }
0x182: {  	[tilespmem:$0xDC0] =	vst v0  }
0x183: {  	v0 =	vld.idx.msk [tilespmem:v45+s29+$0x0], $0xffff;
	_ =	sdelay $0x3  }
0x184: {  	v47 =	vld [tilespmem:$0x2F0]  }
0x185: {  	[tilespmem:$0xDD0] =	vst v0  }
0x186: {  	v0 =	vld.idx.msk [tilespmem:v46+s29+$0x0], $0xffff;
	_ =	sdelay $0x3  }
0x187: {  	v48 =	vld [tilespmem:$0x300]  }
0x188: {  	[tilespmem:$0xDE0] =	vst v0  }
0x189: {  	v0 =	vld.idx.msk [tilespmem:v47+s29+$0x0], $0xffff;
	_ =	sdelay $0x3  }
0x18a: {  	v49 =	vld [tilespmem:$0x310]  }
0x18b: {  	[tilespmem:$0xDF0] =	vst v0  }
0x18c: {  	v0 =	vld.idx.msk [tilespmem:v48+s29+$0x0], $0xffff;
	_ =	sdelay $0x3  }
0x18d: {  	v50 =	vld [tilespmem:$0x320]  }
0x18e: {  	[tilespmem:$0xE00] =	vst v0  }
0x18f: {  	v0 =	vld.idx.msk [tilespmem:v49+s29+$0x0], $0xffff;
	_ =	sdelay $0x3  }
0x190: {  	v51 =	vld [tilespmem:$0x330]  }
0x191: {  	[tilespmem:$0xE10] =	vst v0  }
0x192: {  	v0 =	vld.idx.msk [tilespmem:v50+s29+$0x0], $0xffff;
	_ =	sdelay $0x3  }
0x193: {  	v52 =	vld [tilespmem:$0x340]  }
0x194: {  	[tilespmem:$0xE20] =	vst v0  }
0x195: {  	v0 =	vld.idx.msk [tilespmem:v51+s29+$0x0], $0xffff;
	_ =	sdelay $0x3  }
0x196: {  	v53 =	vld [tilespmem:$0x350]  }
0x197: {  	[tilespmem:$0xE30] =	vst v0  }
0x198: {  	v0 =	vld.idx.msk [tilespmem:v52+s29+$0x0], $0xffff;
	_ =	sdelay $0x3  }
0x199: {  	v54 =	vld [tilespmem:$0x360]  }
0x19a: {  	[tilespmem:$0xE40] =	vst v0  }
0x19b: {  	v0 =	vld.idx.msk [tilespmem:v53+s29+$0x0], $0xffff;
	_ =	sdelay $0x3  }
0x19c: {  	v55 =	vld [tilespmem:$0x370]  }
0x19d: {  	[tilespmem:$0xE50] =	vst v0  }
0x19e: {  	v0 =	vld.idx.msk [tilespmem:v54+s29+$0x0], $0xffff;
	_ =	sdelay $0x3  }
0x19f: {  	v56 =	vld [tilespmem:$0x380]  }
0x1a0: {  	[tilespmem:$0xE60] =	vst v0  }
0x1a1: {  	v0 =	vld.idx.msk [tilespmem:v55+s29+$0x0], $0xffff;
	_ =	sdelay $0x3  }
0x1a2: {  	v57 =	vld [tilespmem:$0x390]  }
0x1a3: {  	[tilespmem:$0xE70] =	vst v0  }
0x1a4: {  	v0 =	vld.idx.msk [tilespmem:v56+s29+$0x0], $0xffff;
	_ =	sdelay $0x3  }
0x1a5: {  	v58 =	vld [tilespmem:$0x3A0]  }
0x1a6: {  	[tilespmem:$0xE80] =	vst v0  }
0x1a7: {  	v0 =	vld.idx.msk [tilespmem:v57+s29+$0x0], $0xffff;
	_ =	sdelay $0x3  }
0x1a8: {  	v59 =	vld [tilespmem:$0x3B0]  }
0x1a9: {  	[tilespmem:$0xE90] =	vst v0  }
0x1aa: {  	v0 =	vld.idx.msk [tilespmem:v58+s29+$0x0], $0xffff;
	_ =	sdelay $0x3  }
0x1ab: {  	v60 =	vld [tilespmem:$0x3C0]  }
0x1ac: {  	[tilespmem:$0xEA0] =	vst v0  }
0x1ad: {  	v0 =	vld.idx.msk [tilespmem:v59+s29+$0x0], $0xffff;
	_ =	sdelay $0x3  }
0x1ae: {  	v61 =	vld [tilespmem:$0x3D0]  }
0x1af: {  	[tilespmem:$0xEB0] =	vst v0  }
0x1b0: {  	v0 =	vld.idx.msk [tilespmem:v60+s29+$0x0], $0xffff;
	_ =	sdelay $0x3  }
0x1b1: {  	v62 =	vld [tilespmem:$0x3E0]  }
0x1b2: {  	[tilespmem:$0xEC0] =	vst v0  }
0x1b3: {  	v0 =	vld.idx.msk [tilespmem:v61+s29+$0x0], $0xffff;
	_ =	sdelay $0x3  }
0x1b4: {  	v63 =	vld [tilespmem:$0x3F0]  }
0x1b5: {  	[tilespmem:$0xED0] =	vst v0  }
0x1b6: {  	v0 =	vld.idx.msk [tilespmem:v62+s29+$0x0], $0xffff;
	_ =	sdelay $0x4  }
0x1b7: {  	[tilespmem:$0xEE0] =	vst v0  }
0x1b8: {  	v0 =	vld.idx.msk [tilespmem:v63+s29+$0x0], $0xffff;
	_ =	sdelay $0x4  }
0x1b9: {  	s31 =	simm.s32 $0xB00;
	s2 =	sadd.s32 s2, s4;
	[tilespmem:$0xEF0] =	vst v0  }
0x1ba: {  	[hbm4b:s2+s3] =	stream.linear.scatter [tilespmem:s31], [sflag:$0x3], $0x400, $0x38;
	[tilespmem:$0xF40] =	vst v63  }
0x1bb: {  	_ =	swait.ge [sflag:s28], $0x400  }
0x1bc: {  	[sflag:s28] =	ssyncset.done $0x0  }
0x1bd: {  	[sflag:s28] =	ssyncadd.s32 $0xFFFFFC00  }
0x1be: {  	_ =	sfence.sel $0x180000  }
0x1bf: {  	[bflag:$0x0] =	sbarrier.arrive $0xFFFF  }
0x1c0: {  	p0 =	sne.s32 s1, $0x0;
	_ =	strace $0x90000047  }
0x1c1: {  	s0 =	sadd.s32 @!p0 $0x100000, s0;
	[bflag:$0x2] =	sbarrier.arrive $0xFFFF  }
0x1c2: {  	[sflag:s0] =	ssyncadd.tile.s32 @!p0 $0x1;
	_ =	shalt  }
.Lfunc_end2:
_tile_overlayer_lowered:
.L_overlay_start_2:
0x1c3: {  	(tag) =	ssettag $0x2  }
0x1c4: {  	s0 =	rddreg [dreg:$0x0];
	s2 =	stileid.u32  }
0x1c5: {  	s1 =	rddreg [dreg:$0x1];
	p0 =	sne.s32 s2, $0x0  }
0x1c6: {  	s3 =	rddreg [dreg:$0x2];
	[bflag:$0x3] =	sbarrier.arrive $0xFFFF;
	s2 =	simm.s32 @!p0 $0x1C03  }
0x1c7: {  	[timem:s3], [sflag:s2] =	dma.local @!p0 [hbm:s0], s1  }
0x1c8: {  	s0 =	simm.s32 @!p0 $0x3  }
0x1c9: {  	_ =	swait.ge @!p0 [sflag:s0], s1  }
0x1ca: {  	s1 =	ssub.s32 @!p0 $0x0, s1;
	[sflag:s0] =	ssyncset.done @!p0 $0x0  }
0x1cb: {  	[sflag:s0] =	ssyncadd.s32 @!p0 s1  }
0x1cc: {  	[bflag:$0x3] =	sbarrier.arrive $0xFFFF  }
0x1cd: {  	_ =	shalt  }

</sc_bundles>
